<compile_context>
chip_gen: v7x
topology: tpu7x:2x2x1
jax: 0.10.2.dev20260603
libtpu: 0.0.44.dev20260713+nightly
codegen_flags: <defaults>
</compile_context>

<pallas_src>
import functools

import jax
import jax.numpy as jnp
from jax import lax
from jax.experimental import pallas as pl
from jax.experimental.pallas import tpu as pltpu
from jax.experimental.pallas import tpu_sc as plsc

B = 16384
S = B * 2 * 6
NC, NS = 2, 16
NW = NC * NS
SPW = S // NW
C = 128
NCHUNK = SPW // C

D_SP, D_MV, D_IT, D_AB = 128, 64, 32, 32
D_OUT = 512

V_SP, V_MV, V_IT, V_AB = 1152, 1024, 1024, 384
R_SP, R_MV, R_IT, R_AB = V_SP // NS, V_MV // NS, V_IT // NS, V_AB // NS


def _kernel_kwargs():
    mesh = plsc.VectorSubcoreMesh(core_axis_name="c", subcore_axis_name="s",
                                  num_cores=NC, num_subcores=NS)
    return dict(
        out_type=jax.ShapeDtypeStruct((S, D_OUT), jnp.float32),
        mesh=mesh,
        scratch_types=[
            pltpu.VMEM((C,), jnp.int32),
            pltpu.VMEM((C,), jnp.int32),
            pltpu.VMEM((C,), jnp.int32),
            pltpu.VMEM((C,), jnp.int32),
            pltpu.VMEM((C,), jnp.int32),
            pltpu.VMEM((C,), jnp.int32),
            pltpu.VMEM((C,), jnp.int32),
            pltpu.VMEM((C, D_SP), jnp.float32),
            pltpu.VMEM((C, D_IT), jnp.float32),
            pltpu.VMEM((C, D_AB), jnp.float32),
            pltpu.VMEM((C, D_MV), jnp.float32),
            pltpu.VMEM((C, D_MV), jnp.float32),
            pltpu.VMEM((C, D_MV), jnp.float32),
            pltpu.VMEM((C, D_MV), jnp.float32),
            pltpu.VMEM((C, 32), jnp.float32),
            pltpu.VMEM((C, 32), jnp.float32),
            pltpu.VMEM_SHARED((V_SP, D_SP), jnp.float32),
            pltpu.VMEM_SHARED((V_MV, D_MV), jnp.float32),
            pltpu.VMEM_SHARED((V_IT, D_IT), jnp.float32),
            pltpu.VMEM_SHARED((V_AB, D_AB), jnp.float32),
            pltpu.SemaphoreType.DMA,
            pltpu.SemaphoreType.DMA,
        ],
        compiler_params=pltpu.CompilerParams(use_tc_tiling_on_sc=False),
    )


def _encode_body(sp_idx, it_idx, ab_idx, m0_idx, m1_idx, m2_idx, m3_idx,
                 ma, pa, sp_tab, mv_tab, it_tab, ab_tab, out,
                 i_sp, i_it, i_ab, i_m0, i_m1, i_m2, i_m3,
                 r_sp, r_it, r_ab, r_m0, r_m1, r_m2, r_m3, b_ma, b_pa,
                 s_sp, s_mv, s_it, s_ab, semA, semB):
    sid = lax.axis_index("s")
    wid = sid * NC + lax.axis_index("c")
    w0 = wid * SPW

    def batch(cps):
        for cp in cps:
            cp.start()
        for cp in cps:
            cp.wait()

    for tab_hbm, tab_s, rpt, buf in (
            (sp_tab, s_sp, R_SP, r_sp), (mv_tab, s_mv, R_MV, r_m0),
            (it_tab, s_it, R_IT, r_it), (ab_tab, s_ab, R_AB, r_ab)):
        rows = pl.ds(sid * rpt, rpt)
        pltpu.sync_copy(tab_hbm.at[rows], buf.at[pl.ds(0, rpt)])
        pltpu.sync_copy(buf.at[pl.ds(0, rpt)], tab_s.at[rows])
    plsc.subcore_barrier()

    def chunk(i, carry):
        base = w0 + i * C
        row = pl.ds(base, C)
        batch([
            pltpu.make_async_copy(sp_idx.at[row], i_sp, semA),
            pltpu.make_async_copy(it_idx.at[row], i_it, semA),
            pltpu.make_async_copy(ab_idx.at[row], i_ab, semA),
            pltpu.make_async_copy(m0_idx.at[row], i_m0, semA),
            pltpu.make_async_copy(m1_idx.at[row], i_m1, semA),
            pltpu.make_async_copy(m2_idx.at[row], i_m2, semA),
            pltpu.make_async_copy(m3_idx.at[row], i_m3, semA),
            pltpu.make_async_copy(ma.at[row], b_ma, semA),
            pltpu.make_async_copy(pa.at[row], b_pa, semA),
        ])
        batch([
            pltpu.make_async_copy(s_sp.at[i_sp], r_sp, semA),
            pltpu.make_async_copy(s_it.at[i_it], r_it, semA),
            pltpu.make_async_copy(s_ab.at[i_ab], r_ab, semA),
            pltpu.make_async_copy(s_mv.at[i_m0], r_m0, semA),
            pltpu.make_async_copy(s_mv.at[i_m1], r_m1, semA),
            pltpu.make_async_copy(s_mv.at[i_m2], r_m2, semA),
            pltpu.make_async_copy(s_mv.at[i_m3], r_m3, semA),
        ])
        batch([
            pltpu.make_async_copy(r_sp, out.at[row, pl.ds(0, D_SP)], semB),
            pltpu.make_async_copy(r_it, out.at[row, pl.ds(128, D_IT)], semB),
            pltpu.make_async_copy(r_ab, out.at[row, pl.ds(160, D_AB)], semB),
            pltpu.make_async_copy(r_m0, out.at[row, pl.ds(192, D_MV)], semB),
            pltpu.make_async_copy(r_m1, out.at[row, pl.ds(256, D_MV)], semB),
            pltpu.make_async_copy(r_m2, out.at[row, pl.ds(320, D_MV)], semB),
            pltpu.make_async_copy(r_m3, out.at[row, pl.ds(384, D_MV)], semB),
            pltpu.make_async_copy(b_ma, out.at[row, pl.ds(448, 32)], semB),
            pltpu.make_async_copy(b_pa, out.at[row, pl.ds(480, 32)], semB),
        ])
        return carry

    lax.fori_loop(0, NCHUNK, chunk, 0)


@functools.cache
def _encode():
    return pl.kernel(_encode_body, **_kernel_kwargs())


def kernel(fields, sides, species, moves, items, abilities,
           move_attributes, pokemon_attributes,
           species_table, move_table, item_table, ability_table):
    sp = species.reshape(S).astype(jnp.int32)
    it = items.reshape(S).astype(jnp.int32)
    ab = abilities.reshape(S).astype(jnp.int32)
    mv = moves.reshape(S, 4).astype(jnp.int32)
    ma = move_attributes.reshape(S, 32)
    pa = pokemon_attributes.reshape(S, 32)
    spt = jnp.pad(species_table, ((0, V_SP - species_table.shape[0]), (0, 0)))
    mvt = jnp.pad(move_table, ((0, V_MV - move_table.shape[0]), (0, 0)))
    itt = jnp.pad(item_table, ((0, V_IT - item_table.shape[0]), (0, 0)))
    abt = jnp.pad(ability_table, ((0, V_AB - ability_table.shape[0]), (0, 0)))
    concat = _encode()(sp, it, ab, mv[:, 0], mv[:, 1], mv[:, 2], mv[:, 3],
                       ma, pa, spt, mvt, itt, abt)
    return (fields, sides, concat.reshape(B, 2, 6, D_OUT))

# --- scband reference (transcript-rebuilt; emitter-appended) ---
"""Pipeline reference for scband-encoder-41532333752978 (READ-ONLY COPY).

The authoritative reference and input builder live on the scoring server;
editing this copy changes nothing except your own understanding.
"""

import jax, jax.numpy as jnp
import numpy as np

B = 16384
N_SPECIES, N_MOVES, N_ITEMS, N_ABILITIES = 1026, 920, 1001, 301
SPECIES_DIM, MOVE_DIM, ITEM_DIM, ABILITY_DIM = 128, 64, 32, 32


def _table(key, n, d):
    t = jax.random.normal(key, (n, d), dtype=jnp.float32) * 0.02
    # padding_idx=0 -> row 0 is zeros
    return t.at[0].set(0.0)


def setup_inputs(seed: int = 0) -> dict:
    key = jax.random.key(seed)
    ks = jax.random.split(key, 12)
    return {
        'fields': jax.random.normal(ks[0], (B, 16), dtype=jnp.float32),
        'sides': jax.random.normal(ks[1], (B, 2, 32), dtype=jnp.float32),
        'species': jax.random.randint(ks[2], (B, 2, 6), 0, N_SPECIES),
        'moves': jax.random.randint(ks[3], (B, 2, 6, 4), 0, N_MOVES),
        'items': jax.random.randint(ks[4], (B, 2, 6), 0, N_ITEMS),
        'abilities': jax.random.randint(ks[5], (B, 2, 6), 0, N_ABILITIES),
        'move_attributes': jax.random.normal(ks[6], (B, 2, 6, 4, 8), dtype=jnp.float32),
        'pokemon_attributes': jax.random.normal(ks[7], (B, 2, 6, 32), dtype=jnp.float32),
        'species_table': _table(ks[8], N_SPECIES, SPECIES_DIM),
        'move_table': _table(ks[9], N_MOVES, MOVE_DIM),
        'item_table': _table(ks[10], N_ITEMS, ITEM_DIM),
        'ability_table': _table(ks[11], N_ABILITIES, ABILITY_DIM),
    }


def reference(fields, sides, species, moves, items, abilities,
              move_attributes, pokemon_attributes,
              species_table, move_table, item_table, ability_table):
    sp = jnp.take(species_table, species, axis=0)        # [B,2,6,128]
    mv = jnp.take(move_table, moves, axis=0)             # [B,2,6,4,64]
    it = jnp.take(item_table, items, axis=0)             # [B,2,6,32]
    ab = jnp.take(ability_table, abilities, axis=0)      # [B,2,6,32]
    mv_flat = mv.reshape(mv.shape[0], mv.shape[1], mv.shape[2], -1)           # flatten(start_dim=3)
    ma_flat = move_attributes.reshape(move_attributes.shape[0], move_attributes.shape[1], move_attributes.shape[2], -1)
    concat = jnp.concatenate((sp, it, ab, mv_flat, ma_flat, pokemon_attributes), axis=3)  # [B,2,6,512]
    return (fields, sides, concat)

if __name__ == "__main__":
    import jax
    _d = setup_inputs()
    print(jax.jit(kernel)(*tuple(_d.values())))

</pallas_src>

<mosaic_0001>
#map = affine_map<(d0, d1) -> (0)>
#map1 = affine_map<(d0, d1) -> (0, 0)>
module attributes {stable_mosaic.version = 14 : i64} {
  func.func @_encode_body(%arg0: i32, %arg1: i32, %arg2: memref<196608xi32, #tpu.memory_space<hbm>>, %arg3: memref<196608xi32, #tpu.memory_space<hbm>>, %arg4: memref<196608xi32, #tpu.memory_space<hbm>>, %arg5: memref<196608xi32, #tpu.memory_space<hbm>>, %arg6: memref<196608xi32, #tpu.memory_space<hbm>>, %arg7: memref<196608xi32, #tpu.memory_space<hbm>>, %arg8: memref<196608xi32, #tpu.memory_space<hbm>>, %arg9: memref<196608x32xf32, #tpu.memory_space<hbm>>, %arg10: memref<196608x32xf32, #tpu.memory_space<hbm>>, %arg11: memref<1152x128xf32, #tpu.memory_space<hbm>>, %arg12: memref<1024x64xf32, #tpu.memory_space<hbm>>, %arg13: memref<1024x32xf32, #tpu.memory_space<hbm>>, %arg14: memref<384x32xf32, #tpu.memory_space<hbm>>, %arg15: memref<196608x512xf32, #tpu.memory_space<hbm>>, %arg16: memref<128xi32, #tpu.memory_space<vmem>>, %arg17: memref<128xi32, #tpu.memory_space<vmem>>, %arg18: memref<128xi32, #tpu.memory_space<vmem>>, %arg19: memref<128xi32, #tpu.memory_space<vmem>>, %arg20: memref<128xi32, #tpu.memory_space<vmem>>, %arg21: memref<128xi32, #tpu.memory_space<vmem>>, %arg22: memref<128xi32, #tpu.memory_space<vmem>>, %arg23: memref<128x128xf32, #tpu.memory_space<vmem>>, %arg24: memref<128x32xf32, #tpu.memory_space<vmem>>, %arg25: memref<128x32xf32, #tpu.memory_space<vmem>>, %arg26: memref<128x64xf32, #tpu.memory_space<vmem>>, %arg27: memref<128x64xf32, #tpu.memory_space<vmem>>, %arg28: memref<128x64xf32, #tpu.memory_space<vmem>>, %arg29: memref<128x64xf32, #tpu.memory_space<vmem>>, %arg30: memref<128x32xf32, #tpu.memory_space<vmem>>, %arg31: memref<128x32xf32, #tpu.memory_space<vmem>>, %arg32: memref<1152x128xf32, #tpu.memory_space<vmem_shared>>, %arg33: memref<1024x64xf32, #tpu.memory_space<vmem_shared>>, %arg34: memref<1024x32xf32, #tpu.memory_space<vmem_shared>>, %arg35: memref<384x32xf32, #tpu.memory_space<vmem_shared>>, %arg36: memref<!tpu.dma_semaphore, #tpu.memory_space<semaphore_mem>>, %arg37: memref<!tpu.dma_semaphore, #tpu.memory_space<semaphore_mem>>) attributes {dimension_semantics = [#tpu.dimension_semantics<core_parallel>, #tpu.dimension_semantics<subcore_parallel>], iteration_bounds = array<i64: 2, 16>, scalar_prefetch = 0 : i64, scratch_operands = 22 : i64, tpu.core_type = #tpu.core_type<sc_vector_subcore>, window_params = [{transform_indices = #map}, {transform_indices = #map}, {transform_indices = #map}, {transform_indices = #map}, {transform_indices = #map}, {transform_indices = #map}, {transform_indices = #map}, {transform_indices = #map1}, {transform_indices = #map1}, {transform_indices = #map1}, {transform_indices = #map1}, {transform_indices = #map1}, {transform_indices = #map1}, {transform_indices = #map1}]} {
    %mul3A = arith.constant 2 : i32
    %mul3A_0 = arith.muli %arg1, %mul3A : i32
    %add3A = arith.addi %mul3A_0, %arg0 : i32
    %mul3A_1 = arith.constant 6144 : i32
    %mul3A_2 = arith.muli %add3A, %mul3A_1 : i32
    %mul3A_3 = arith.constant 72 : i32
    %mul3A_4 = arith.muli %arg1, %mul3A_3 : i32
    "tpu.region"() ({
      %run_scoped3A = tpu.sem_alloc : memref<!tpu.dma_semaphore, #tpu.memory_space<semaphore_mem>>
      %dma_start3A = arith.constant 0 : i32
      %dma_start3A_16 = arith.constant 0 : i32
      %dma_start3A_17 = tpu.memref_slice %arg23[%dma_start3A, %dma_start3A_16] : memref<128x128xf32, #tpu.memory_space<vmem>> -> memref<72x128xf32, #tpu.memory_space<vmem>>
      %dma_start3A_18 = arith.constant 0 : i32
      %dma_start3A_19 = tpu.memref_slice %arg11[%mul3A_4, %dma_start3A_18] : memref<1152x128xf32, #tpu.memory_space<hbm>> -> memref<72x128xf32, #tpu.memory_space<hbm>>
      %dma_start3A_20 = arith.constant 0 : i32
      %dma_start3A_21 = arith.constant 0 : i32
      %dma_start3A_22 = tpu.memref_slice %arg23[%dma_start3A_20, %dma_start3A_21] : memref<128x128xf32, #tpu.memory_space<vmem>> -> memref<72x128xf32, #tpu.memory_space<vmem>>
      %dma_start3A_23 = arith.constant 0 : i32
      %dma_start3A_24 = tpu.memref_slice %arg11[%mul3A_4, %dma_start3A_23] : memref<1152x128xf32, #tpu.memory_space<hbm>> -> memref<72x128xf32, #tpu.memory_space<hbm>>
      tpu.enqueue_dma source(%dma_start3A_24 : memref<72x128xf32, #tpu.memory_space<hbm>>) target(%dma_start3A_22 : memref<72x128xf32, #tpu.memory_space<vmem>>) target_semaphore(%run_scoped3A : memref<!tpu.dma_semaphore, #tpu.memory_space<semaphore_mem>>)
      %dma_wait3A = arith.constant 0 : i32
      %dma_wait3A_25 = arith.constant 0 : i32
      %dma_wait3A_26 = tpu.memref_slice %arg23[%dma_wait3A, %dma_wait3A_25] : memref<128x128xf32, #tpu.memory_space<vmem>> -> memref<72x128xf32, #tpu.memory_space<vmem>>
      %dma_wait3A_27 = arith.constant 0 : i32
      %dma_wait3A_28 = tpu.memref_slice %arg11[%mul3A_4, %dma_wait3A_27] : memref<1152x128xf32, #tpu.memory_space<hbm>> -> memref<72x128xf32, #tpu.memory_space<hbm>>
      %dma_wait3A_29 = arith.constant 0 : i32
      %dma_wait3A_30 = arith.constant 0 : i32
      %dma_wait3A_31 = tpu.memref_slice %arg23[%dma_wait3A_29, %dma_wait3A_30] : memref<128x128xf32, #tpu.memory_space<vmem>> -> memref<72x128xf32, #tpu.memory_space<vmem>>
      %dma_wait3A_32 = arith.constant 0 : i32
      %dma_wait3A_33 = tpu.memref_slice %arg11[%mul3A_4, %dma_wait3A_32] : memref<1152x128xf32, #tpu.memory_space<hbm>> -> memref<72x128xf32, #tpu.memory_space<hbm>>
      tpu.wait_dma2 semaphore(%run_scoped3A : memref<!tpu.dma_semaphore, #tpu.memory_space<semaphore_mem>>) src(%dma_wait3A_33 : memref<72x128xf32, #tpu.memory_space<hbm>>) dst(%dma_wait3A_31 : memref<72x128xf32, #tpu.memory_space<vmem>>)
      tpu.yield
    }) : () -> ()
    "tpu.region"() ({
      %run_scoped3A = tpu.sem_alloc : memref<!tpu.dma_semaphore, #tpu.memory_space<semaphore_mem>>
      %dma_start3A = arith.constant 0 : i32
      %dma_start3A_16 = arith.constant 0 : i32
      %dma_start3A_17 = tpu.memref_slice %arg23[%dma_start3A, %dma_start3A_16] : memref<128x128xf32, #tpu.memory_space<vmem>> -> memref<72x128xf32, #tpu.memory_space<vmem>>
      %dma_start3A_18 = arith.constant 0 : i32
      %dma_start3A_19 = tpu.memref_slice %arg32[%mul3A_4, %dma_start3A_18] : memref<1152x128xf32, #tpu.memory_space<vmem_shared>> -> memref<72x128xf32, #tpu.memory_space<vmem_shared>>
      %dma_start3A_20 = arith.constant 0 : i32
      %dma_start3A_21 = tpu.memref_slice %arg32[%mul3A_4, %dma_start3A_20] : memref<1152x128xf32, #tpu.memory_space<vmem_shared>> -> memref<72x128xf32, #tpu.memory_space<vmem_shared>>
      %dma_start3A_22 = arith.constant 0 : i32
      %dma_start3A_23 = arith.constant 0 : i32
      %dma_start3A_24 = tpu.memref_slice %arg23[%dma_start3A_22, %dma_start3A_23] : memref<128x128xf32, #tpu.memory_space<vmem>> -> memref<72x128xf32, #tpu.memory_space<vmem>>
      tpu.enqueue_dma source(%dma_start3A_24 : memref<72x128xf32, #tpu.memory_space<vmem>>) target(%dma_start3A_21 : memref<72x128xf32, #tpu.memory_space<vmem_shared>>) target_semaphore(%run_scoped3A : memref<!tpu.dma_semaphore, #tpu.memory_space<semaphore_mem>>)
      %dma_wait3A = arith.constant 0 : i32
      %dma_wait3A_25 = arith.constant 0 : i32
      %dma_wait3A_26 = tpu.memref_slice %arg23[%dma_wait3A, %dma_wait3A_25] : memref<128x128xf32, #tpu.memory_space<vmem>> -> memref<72x128xf32, #tpu.memory_space<vmem>>
      %dma_wait3A_27 = arith.constant 0 : i32
      %dma_wait3A_28 = tpu.memref_slice %arg32[%mul3A_4, %dma_wait3A_27] : memref<1152x128xf32, #tpu.memory_space<vmem_shared>> -> memref<72x128xf32, #tpu.memory_space<vmem_shared>>
      %dma_wait3A_29 = arith.constant 0 : i32
      %dma_wait3A_30 = tpu.memref_slice %arg32[%mul3A_4, %dma_wait3A_29] : memref<1152x128xf32, #tpu.memory_space<vmem_shared>> -> memref<72x128xf32, #tpu.memory_space<vmem_shared>>
      %dma_wait3A_31 = arith.constant 0 : i32
      %dma_wait3A_32 = arith.constant 0 : i32
      %dma_wait3A_33 = tpu.memref_slice %arg23[%dma_wait3A_31, %dma_wait3A_32] : memref<128x128xf32, #tpu.memory_space<vmem>> -> memref<72x128xf32, #tpu.memory_space<vmem>>
      tpu.wait_dma2 semaphore(%run_scoped3A : memref<!tpu.dma_semaphore, #tpu.memory_space<semaphore_mem>>) src(%dma_wait3A_33 : memref<72x128xf32, #tpu.memory_space<vmem>>) dst(%dma_wait3A_30 : memref<72x128xf32, #tpu.memory_space<vmem_shared>>)
      tpu.yield
    }) : () -> ()
    %mul3A_5 = arith.constant 64 : i32
    %mul3A_6 = arith.muli %arg1, %mul3A_5 : i32
    "tpu.region"() ({
      %run_scoped3A = tpu.sem_alloc : memref<!tpu.dma_semaphore, #tpu.memory_space<semaphore_mem>>
      %dma_start3A = arith.constant 0 : i32
      %dma_start3A_16 = arith.constant 0 : i32
      %dma_start3A_17 = tpu.memref_slice %arg26[%dma_start3A, %dma_start3A_16] : memref<128x64xf32, #tpu.memory_space<vmem>> -> memref<64x64xf32, #tpu.memory_space<vmem>>
      %dma_start3A_18 = arith.constant 0 : i32
      %dma_start3A_19 = tpu.memref_slice %arg12[%mul3A_6, %dma_start3A_18] : memref<1024x64xf32, #tpu.memory_space<hbm>> -> memref<64x64xf32, #tpu.memory_space<hbm>>
      %dma_start3A_20 = arith.constant 0 : i32
      %dma_start3A_21 = arith.constant 0 : i32
      %dma_start3A_22 = tpu.memref_slice %arg26[%dma_start3A_20, %dma_start3A_21] : memref<128x64xf32, #tpu.memory_space<vmem>> -> memref<64x64xf32, #tpu.memory_space<vmem>>
      %dma_start3A_23 = arith.constant 0 : i32
      %dma_start3A_24 = tpu.memref_slice %arg12[%mul3A_6, %dma_start3A_23] : memref<1024x64xf32, #tpu.memory_space<hbm>> -> memref<64x64xf32, #tpu.memory_space<hbm>>
      tpu.enqueue_dma source(%dma_start3A_24 : memref<64x64xf32, #tpu.memory_space<hbm>>) target(%dma_start3A_22 : memref<64x64xf32, #tpu.memory_space<vmem>>) target_semaphore(%run_scoped3A : memref<!tpu.dma_semaphore, #tpu.memory_space<semaphore_mem>>)
      %dma_wait3A = arith.constant 0 : i32
      %dma_wait3A_25 = arith.constant 0 : i32
      %dma_wait3A_26 = tpu.memref_slice %arg26[%dma_wait3A, %dma_wait3A_25] : memref<128x64xf32, #tpu.memory_space<vmem>> -> memref<64x64xf32, #tpu.memory_space<vmem>>
      %dma_wait3A_27 = arith.constant 0 : i32
      %dma_wait3A_28 = tpu.memref_slice %arg12[%mul3A_6, %dma_wait3A_27] : memref<1024x64xf32, #tpu.memory_space<hbm>> -> memref<64x64xf32, #tpu.memory_space<hbm>>
      %dma_wait3A_29 = arith.constant 0 : i32
      %dma_wait3A_30 = arith.constant 0 : i32
      %dma_wait3A_31 = tpu.memref_slice %arg26[%dma_wait3A_29, %dma_wait3A_30] : memref<128x64xf32, #tpu.memory_space<vmem>> -> memref<64x64xf32, #tpu.memory_space<vmem>>
      %dma_wait3A_32 = arith.constant 0 : i32
      %dma_wait3A_33 = tpu.memref_slice %arg12[%mul3A_6, %dma_wait3A_32] : memref<1024x64xf32, #tpu.memory_space<hbm>> -> memref<64x64xf32, #tpu.memory_space<hbm>>
      tpu.wait_dma2 semaphore(%run_scoped3A : memref<!tpu.dma_semaphore, #tpu.memory_space<semaphore_mem>>) src(%dma_wait3A_33 : memref<64x64xf32, #tpu.memory_space<hbm>>) dst(%dma_wait3A_31 : memref<64x64xf32, #tpu.memory_space<vmem>>)
      tpu.yield
    }) : () -> ()
    "tpu.region"() ({
      %run_scoped3A = tpu.sem_alloc : memref<!tpu.dma_semaphore, #tpu.memory_space<semaphore_mem>>
      %dma_start3A = arith.constant 0 : i32
      %dma_start3A_16 = arith.constant 0 : i32
      %dma_start3A_17 = tpu.memref_slice %arg26[%dma_start3A, %dma_start3A_16] : memref<128x64xf32, #tpu.memory_space<vmem>> -> memref<64x64xf32, #tpu.memory_space<vmem>>
      %dma_start3A_18 = arith.constant 0 : i32
      %dma_start3A_19 = tpu.memref_slice %arg33[%mul3A_6, %dma_start3A_18] : memref<1024x64xf32, #tpu.memory_space<vmem_shared>> -> memref<64x64xf32, #tpu.memory_space<vmem_shared>>
      %dma_start3A_20 = arith.constant 0 : i32
      %dma_start3A_21 = tpu.memref_slice %arg33[%mul3A_6, %dma_start3A_20] : memref<1024x64xf32, #tpu.memory_space<vmem_shared>> -> memref<64x64xf32, #tpu.memory_space<vmem_shared>>
      %dma_start3A_22 = arith.constant 0 : i32
      %dma_start3A_23 = arith.constant 0 : i32
      %dma_start3A_24 = tpu.memref_slice %arg26[%dma_start3A_22, %dma_start3A_23] : memref<128x64xf32, #tpu.memory_space<vmem>> -> memref<64x64xf32, #tpu.memory_space<vmem>>
      tpu.enqueue_dma source(%dma_start3A_24 : memref<64x64xf32, #tpu.memory_space<vmem>>) target(%dma_start3A_21 : memref<64x64xf32, #tpu.memory_space<vmem_shared>>) target_semaphore(%run_scoped3A : memref<!tpu.dma_semaphore, #tpu.memory_space<semaphore_mem>>)
      %dma_wait3A = arith.constant 0 : i32
      %dma_wait3A_25 = arith.constant 0 : i32
      %dma_wait3A_26 = tpu.memref_slice %arg26[%dma_wait3A, %dma_wait3A_25] : memref<128x64xf32, #tpu.memory_space<vmem>> -> memref<64x64xf32, #tpu.memory_space<vmem>>
      %dma_wait3A_27 = arith.constant 0 : i32
      %dma_wait3A_28 = tpu.memref_slice %arg33[%mul3A_6, %dma_wait3A_27] : memref<1024x64xf32, #tpu.memory_space<vmem_shared>> -> memref<64x64xf32, #tpu.memory_space<vmem_shared>>
      %dma_wait3A_29 = arith.constant 0 : i32
      %dma_wait3A_30 = tpu.memref_slice %arg33[%mul3A_6, %dma_wait3A_29] : memref<1024x64xf32, #tpu.memory_space<vmem_shared>> -> memref<64x64xf32, #tpu.memory_space<vmem_shared>>
      %dma_wait3A_31 = arith.constant 0 : i32
      %dma_wait3A_32 = arith.constant 0 : i32
      %dma_wait3A_33 = tpu.memref_slice %arg26[%dma_wait3A_31, %dma_wait3A_32] : memref<128x64xf32, #tpu.memory_space<vmem>> -> memref<64x64xf32, #tpu.memory_space<vmem>>
      tpu.wait_dma2 semaphore(%run_scoped3A : memref<!tpu.dma_semaphore, #tpu.memory_space<semaphore_mem>>) src(%dma_wait3A_33 : memref<64x64xf32, #tpu.memory_space<vmem>>) dst(%dma_wait3A_30 : memref<64x64xf32, #tpu.memory_space<vmem_shared>>)
      tpu.yield
    }) : () -> ()
    %mul3A_7 = arith.constant 64 : i32
    %mul3A_8 = arith.muli %arg1, %mul3A_7 : i32
    "tpu.region"() ({
      %run_scoped3A = tpu.sem_alloc : memref<!tpu.dma_semaphore, #tpu.memory_space<semaphore_mem>>
      %dma_start3A = arith.constant 0 : i32
      %dma_start3A_16 = arith.constant 0 : i32
      %dma_start3A_17 = tpu.memref_slice %arg24[%dma_start3A, %dma_start3A_16] : memref<128x32xf32, #tpu.memory_space<vmem>> -> memref<64x32xf32, #tpu.memory_space<vmem>>
      %dma_start3A_18 = arith.constant 0 : i32
      %dma_start3A_19 = tpu.memref_slice %arg13[%mul3A_8, %dma_start3A_18] : memref<1024x32xf32, #tpu.memory_space<hbm>> -> memref<64x32xf32, #tpu.memory_space<hbm>>
      %dma_start3A_20 = arith.constant 0 : i32
      %dma_start3A_21 = arith.constant 0 : i32
      %dma_start3A_22 = tpu.memref_slice %arg24[%dma_start3A_20, %dma_start3A_21] : memref<128x32xf32, #tpu.memory_space<vmem>> -> memref<64x32xf32, #tpu.memory_space<vmem>>
      %dma_start3A_23 = arith.constant 0 : i32
      %dma_start3A_24 = tpu.memref_slice %arg13[%mul3A_8, %dma_start3A_23] : memref<1024x32xf32, #tpu.memory_space<hbm>> -> memref<64x32xf32, #tpu.memory_space<hbm>>
      tpu.enqueue_dma source(%dma_start3A_24 : memref<64x32xf32, #tpu.memory_space<hbm>>) target(%dma_start3A_22 : memref<64x32xf32, #tpu.memory_space<vmem>>) target_semaphore(%run_scoped3A : memref<!tpu.dma_semaphore, #tpu.memory_space<semaphore_mem>>)
      %dma_wait3A = arith.constant 0 : i32
      %dma_wait3A_25 = arith.constant 0 : i32
      %dma_wait3A_26 = tpu.memref_slice %arg24[%dma_wait3A, %dma_wait3A_25] : memref<128x32xf32, #tpu.memory_space<vmem>> -> memref<64x32xf32, #tpu.memory_space<vmem>>
      %dma_wait3A_27 = arith.constant 0 : i32
      %dma_wait3A_28 = tpu.memref_slice %arg13[%mul3A_8, %dma_wait3A_27] : memref<1024x32xf32, #tpu.memory_space<hbm>> -> memref<64x32xf32, #tpu.memory_space<hbm>>
      %dma_wait3A_29 = arith.constant 0 : i32
      %dma_wait3A_30 = arith.constant 0 : i32
      %dma_wait3A_31 = tpu.memref_slice %arg24[%dma_wait3A_29, %dma_wait3A_30] : memref<128x32xf32, #tpu.memory_space<vmem>> -> memref<64x32xf32, #tpu.memory_space<vmem>>
      %dma_wait3A_32 = arith.constant 0 : i32
      %dma_wait3A_33 = tpu.memref_slice %arg13[%mul3A_8, %dma_wait3A_32] : memref<1024x32xf32, #tpu.memory_space<hbm>> -> memref<64x32xf32, #tpu.memory_space<hbm>>
      tpu.wait_dma2 semaphore(%run_scoped3A : memref<!tpu.dma_semaphore, #tpu.memory_space<semaphore_mem>>) src(%dma_wait3A_33 : memref<64x32xf32, #tpu.memory_space<hbm>>) dst(%dma_wait3A_31 : memref<64x32xf32, #tpu.memory_space<vmem>>)
      tpu.yield
    }) : () -> ()
    "tpu.region"() ({
      %run_scoped3A = tpu.sem_alloc : memref<!tpu.dma_semaphore, #tpu.memory_space<semaphore_mem>>
      %dma_start3A = arith.constant 0 : i32
      %dma_start3A_16 = arith.constant 0 : i32
      %dma_start3A_17 = tpu.memref_slice %arg24[%dma_start3A, %dma_start3A_16] : memref<128x32xf32, #tpu.memory_space<vmem>> -> memref<64x32xf32, #tpu.memory_space<vmem>>
      %dma_start3A_18 = arith.constant 0 : i32
      %dma_start3A_19 = tpu.memref_slice %arg34[%mul3A_8, %dma_start3A_18] : memref<1024x32xf32, #tpu.memory_space<vmem_shared>> -> memref<64x32xf32, #tpu.memory_space<vmem_shared>>
      %dma_start3A_20 = arith.constant 0 : i32
      %dma_start3A_21 = tpu.memref_slice %arg34[%mul3A_8, %dma_start3A_20] : memref<1024x32xf32, #tpu.memory_space<vmem_shared>> -> memref<64x32xf32, #tpu.memory_space<vmem_shared>>
      %dma_start3A_22 = arith.constant 0 : i32
      %dma_start3A_23 = arith.constant 0 : i32
      %dma_start3A_24 = tpu.memref_slice %arg24[%dma_start3A_22, %dma_start3A_23] : memref<128x32xf32, #tpu.memory_space<vmem>> -> memref<64x32xf32, #tpu.memory_space<vmem>>
      tpu.enqueue_dma source(%dma_start3A_24 : memref<64x32xf32, #tpu.memory_space<vmem>>) target(%dma_start3A_21 : memref<64x32xf32, #tpu.memory_space<vmem_shared>>) target_semaphore(%run_scoped3A : memref<!tpu.dma_semaphore, #tpu.memory_space<semaphore_mem>>)
      %dma_wait3A = arith.constant 0 : i32
      %dma_wait3A_25 = arith.constant 0 : i32
      %dma_wait3A_26 = tpu.memref_slice %arg24[%dma_wait3A, %dma_wait3A_25] : memref<128x32xf32, #tpu.memory_space<vmem>> -> memref<64x32xf32, #tpu.memory_space<vmem>>
      %dma_wait3A_27 = arith.constant 0 : i32
      %dma_wait3A_28 = tpu.memref_slice %arg34[%mul3A_8, %dma_wait3A_27] : memref<1024x32xf32, #tpu.memory_space<vmem_shared>> -> memref<64x32xf32, #tpu.memory_space<vmem_shared>>
      %dma_wait3A_29 = arith.constant 0 : i32
      %dma_wait3A_30 = tpu.memref_slice %arg34[%mul3A_8, %dma_wait3A_29] : memref<1024x32xf32, #tpu.memory_space<vmem_shared>> -> memref<64x32xf32, #tpu.memory_space<vmem_shared>>
      %dma_wait3A_31 = arith.constant 0 : i32
      %dma_wait3A_32 = arith.constant 0 : i32
      %dma_wait3A_33 = tpu.memref_slice %arg24[%dma_wait3A_31, %dma_wait3A_32] : memref<128x32xf32, #tpu.memory_space<vmem>> -> memref<64x32xf32, #tpu.memory_space<vmem>>
      tpu.wait_dma2 semaphore(%run_scoped3A : memref<!tpu.dma_semaphore, #tpu.memory_space<semaphore_mem>>) src(%dma_wait3A_33 : memref<64x32xf32, #tpu.memory_space<vmem>>) dst(%dma_wait3A_30 : memref<64x32xf32, #tpu.memory_space<vmem_shared>>)
      tpu.yield
    }) : () -> ()
    %mul3A_9 = arith.constant 24 : i32
    %mul3A_10 = arith.muli %arg1, %mul3A_9 : i32
    "tpu.region"() ({
      %run_scoped3A = tpu.sem_alloc : memref<!tpu.dma_semaphore, #tpu.memory_space<semaphore_mem>>
      %dma_start3A = arith.constant 0 : i32
      %dma_start3A_16 = arith.constant 0 : i32
      %dma_start3A_17 = tpu.memref_slice %arg25[%dma_start3A, %dma_start3A_16] : memref<128x32xf32, #tpu.memory_space<vmem>> -> memref<24x32xf32, #tpu.memory_space<vmem>>
      %dma_start3A_18 = arith.constant 0 : i32
      %dma_start3A_19 = tpu.memref_slice %arg14[%mul3A_10, %dma_start3A_18] : memref<384x32xf32, #tpu.memory_space<hbm>> -> memref<24x32xf32, #tpu.memory_space<hbm>>
      %dma_start3A_20 = arith.constant 0 : i32
      %dma_start3A_21 = arith.constant 0 : i32
      %dma_start3A_22 = tpu.memref_slice %arg25[%dma_start3A_20, %dma_start3A_21] : memref<128x32xf32, #tpu.memory_space<vmem>> -> memref<24x32xf32, #tpu.memory_space<vmem>>
      %dma_start3A_23 = arith.constant 0 : i32
      %dma_start3A_24 = tpu.memref_slice %arg14[%mul3A_10, %dma_start3A_23] : memref<384x32xf32, #tpu.memory_space<hbm>> -> memref<24x32xf32, #tpu.memory_space<hbm>>
      tpu.enqueue_dma source(%dma_start3A_24 : memref<24x32xf32, #tpu.memory_space<hbm>>) target(%dma_start3A_22 : memref<24x32xf32, #tpu.memory_space<vmem>>) target_semaphore(%run_scoped3A : memref<!tpu.dma_semaphore, #tpu.memory_space<semaphore_mem>>)
      %dma_wait3A = arith.constant 0 : i32
      %dma_wait3A_25 = arith.constant 0 : i32
      %dma_wait3A_26 = tpu.memref_slice %arg25[%dma_wait3A, %dma_wait3A_25] : memref<128x32xf32, #tpu.memory_space<vmem>> -> memref<24x32xf32, #tpu.memory_space<vmem>>
      %dma_wait3A_27 = arith.constant 0 : i32
      %dma_wait3A_28 = tpu.memref_slice %arg14[%mul3A_10, %dma_wait3A_27] : memref<384x32xf32, #tpu.memory_space<hbm>> -> memref<24x32xf32, #tpu.memory_space<hbm>>
      %dma_wait3A_29 = arith.constant 0 : i32
      %dma_wait3A_30 = arith.constant 0 : i32
      %dma_wait3A_31 = tpu.memref_slice %arg25[%dma_wait3A_29, %dma_wait3A_30] : memref<128x32xf32, #tpu.memory_space<vmem>> -> memref<24x32xf32, #tpu.memory_space<vmem>>
      %dma_wait3A_32 = arith.constant 0 : i32
      %dma_wait3A_33 = tpu.memref_slice %arg14[%mul3A_10, %dma_wait3A_32] : memref<384x32xf32, #tpu.memory_space<hbm>> -> memref<24x32xf32, #tpu.memory_space<hbm>>
      tpu.wait_dma2 semaphore(%run_scoped3A : memref<!tpu.dma_semaphore, #tpu.memory_space<semaphore_mem>>) src(%dma_wait3A_33 : memref<24x32xf32, #tpu.memory_space<hbm>>) dst(%dma_wait3A_31 : memref<24x32xf32, #tpu.memory_space<vmem>>)
      tpu.yield
    }) : () -> ()
    "tpu.region"() ({
      %run_scoped3A = tpu.sem_alloc : memref<!tpu.dma_semaphore, #tpu.memory_space<semaphore_mem>>
      %dma_start3A = arith.constant 0 : i32
      %dma_start3A_16 = arith.constant 0 : i32
      %dma_start3A_17 = tpu.memref_slice %arg25[%dma_start3A, %dma_start3A_16] : memref<128x32xf32, #tpu.memory_space<vmem>> -> memref<24x32xf32, #tpu.memory_space<vmem>>
      %dma_start3A_18 = arith.constant 0 : i32
      %dma_start3A_19 = tpu.memref_slice %arg35[%mul3A_10, %dma_start3A_18] : memref<384x32xf32, #tpu.memory_space<vmem_shared>> -> memref<24x32xf32, #tpu.memory_space<vmem_shared>>
      %dma_start3A_20 = arith.constant 0 : i32
      %dma_start3A_21 = tpu.memref_slice %arg35[%mul3A_10, %dma_start3A_20] : memref<384x32xf32, #tpu.memory_space<vmem_shared>> -> memref<24x32xf32, #tpu.memory_space<vmem_shared>>
      %dma_start3A_22 = arith.constant 0 : i32
      %dma_start3A_23 = arith.constant 0 : i32
      %dma_start3A_24 = tpu.memref_slice %arg25[%dma_start3A_22, %dma_start3A_23] : memref<128x32xf32, #tpu.memory_space<vmem>> -> memref<24x32xf32, #tpu.memory_space<vmem>>
      tpu.enqueue_dma source(%dma_start3A_24 : memref<24x32xf32, #tpu.memory_space<vmem>>) target(%dma_start3A_21 : memref<24x32xf32, #tpu.memory_space<vmem_shared>>) target_semaphore(%run_scoped3A : memref<!tpu.dma_semaphore, #tpu.memory_space<semaphore_mem>>)
      %dma_wait3A = arith.constant 0 : i32
      %dma_wait3A_25 = arith.constant 0 : i32
      %dma_wait3A_26 = tpu.memref_slice %arg25[%dma_wait3A, %dma_wait3A_25] : memref<128x32xf32, #tpu.memory_space<vmem>> -> memref<24x32xf32, #tpu.memory_space<vmem>>
      %dma_wait3A_27 = arith.constant 0 : i32
      %dma_wait3A_28 = tpu.memref_slice %arg35[%mul3A_10, %dma_wait3A_27] : memref<384x32xf32, #tpu.memory_space<vmem_shared>> -> memref<24x32xf32, #tpu.memory_space<vmem_shared>>
      %dma_wait3A_29 = arith.constant 0 : i32
      %dma_wait3A_30 = tpu.memref_slice %arg35[%mul3A_10, %dma_wait3A_29] : memref<384x32xf32, #tpu.memory_space<vmem_shared>> -> memref<24x32xf32, #tpu.memory_space<vmem_shared>>
      %dma_wait3A_31 = arith.constant 0 : i32
      %dma_wait3A_32 = arith.constant 0 : i32
      %dma_wait3A_33 = tpu.memref_slice %arg25[%dma_wait3A_31, %dma_wait3A_32] : memref<128x32xf32, #tpu.memory_space<vmem>> -> memref<24x32xf32, #tpu.memory_space<vmem>>
      tpu.wait_dma2 semaphore(%run_scoped3A : memref<!tpu.dma_semaphore, #tpu.memory_space<semaphore_mem>>) src(%dma_wait3A_33 : memref<24x32xf32, #tpu.memory_space<vmem>>) dst(%dma_wait3A_30 : memref<24x32xf32, #tpu.memory_space<vmem_shared>>)
      tpu.yield
    }) : () -> ()
    %barrier3A = arith.constant 0 : index
    tpu.barrier barrier_id(%barrier3A)
    %scan3A = arith.constant 0 : i32
    %scan3A_11 = arith.constant 0 : i32
    %scan3A_12 = arith.constant 48 : i32
    %scan3A_13 = arith.addi %scan3A_11, %scan3A_12 : i32
    %scan3A_14 = arith.constant 1 : i32
    scf.for %scan3A_16 = %scan3A_11 to %scan3A_13 step %scan3A_14  : i32 {
      %mul3A_17 = arith.constant 128 : i32
      %mul3A_18 = arith.muli %scan3A_16, %mul3A_17 : i32
      %add3A_19 = arith.addi %mul3A_2, %mul3A_18 : i32
      %dma_start3A = tpu.memref_slice %arg2[%add3A_19] : memref<196608xi32, #tpu.memory_space<hbm>> -> memref<128xi32, #tpu.memory_space<hbm>>
      %dma_start3A_20 = tpu.memref_slice %arg2[%add3A_19] : memref<196608xi32, #tpu.memory_space<hbm>> -> memref<128xi32, #tpu.memory_space<hbm>>
      tpu.enqueue_dma source(%dma_start3A_20 : memref<128xi32, #tpu.memory_space<hbm>>) target(%arg16 : memref<128xi32, #tpu.memory_space<vmem>>) target_semaphore(%arg36 : memref<!tpu.dma_semaphore, #tpu.memory_space<semaphore_mem>>)
      %dma_start3A_21 = tpu.memref_slice %arg3[%add3A_19] : memref<196608xi32, #tpu.memory_space<hbm>> -> memref<128xi32, #tpu.memory_space<hbm>>
      %dma_start3A_22 = tpu.memref_slice %arg3[%add3A_19] : memref<196608xi32, #tpu.memory_space<hbm>> -> memref<128xi32, #tpu.memory_space<hbm>>
      tpu.enqueue_dma source(%dma_start3A_22 : memref<128xi32, #tpu.memory_space<hbm>>) target(%arg17 : memref<128xi32, #tpu.memory_space<vmem>>) target_semaphore(%arg36 : memref<!tpu.dma_semaphore, #tpu.memory_space<semaphore_mem>>)
      %dma_start3A_23 = tpu.memref_slice %arg4[%add3A_19] : memref<196608xi32, #tpu.memory_space<hbm>> -> memref<128xi32, #tpu.memory_space<hbm>>
      %dma_start3A_24 = tpu.memref_slice %arg4[%add3A_19] : memref<196608xi32, #tpu.memory_space<hbm>> -> memref<128xi32, #tpu.memory_space<hbm>>
      tpu.enqueue_dma source(%dma_start3A_24 : memref<128xi32, #tpu.memory_space<hbm>>) target(%arg18 : memref<128xi32, #tpu.memory_space<vmem>>) target_semaphore(%arg36 : memref<!tpu.dma_semaphore, #tpu.memory_space<semaphore_mem>>)
      %dma_start3A_25 = tpu.memref_slice %arg5[%add3A_19] : memref<196608xi32, #tpu.memory_space<hbm>> -> memref<128xi32, #tpu.memory_space<hbm>>
      %dma_start3A_26 = tpu.memref_slice %arg5[%add3A_19] : memref<196608xi32, #tpu.memory_space<hbm>> -> memref<128xi32, #tpu.memory_space<hbm>>
      tpu.enqueue_dma source(%dma_start3A_26 : memref<128xi32, #tpu.memory_space<hbm>>) target(%arg19 : memref<128xi32, #tpu.memory_space<vmem>>) target_semaphore(%arg36 : memref<!tpu.dma_semaphore, #tpu.memory_space<semaphore_mem>>)
      %dma_start3A_27 = tpu.memref_slice %arg6[%add3A_19] : memref<196608xi32, #tpu.memory_space<hbm>> -> memref<128xi32, #tpu.memory_space<hbm>>
      %dma_start3A_28 = tpu.memref_slice %arg6[%add3A_19] : memref<196608xi32, #tpu.memory_space<hbm>> -> memref<128xi32, #tpu.memory_space<hbm>>
      tpu.enqueue_dma source(%dma_start3A_28 : memref<128xi32, #tpu.memory_space<hbm>>) target(%arg20 : memref<128xi32, #tpu.memory_space<vmem>>) target_semaphore(%arg36 : memref<!tpu.dma_semaphore, #tpu.memory_space<semaphore_mem>>)
      %dma_start3A_29 = tpu.memref_slice %arg7[%add3A_19] : memref<196608xi32, #tpu.memory_space<hbm>> -> memref<128xi32, #tpu.memory_space<hbm>>
      %dma_start3A_30 = tpu.memref_slice %arg7[%add3A_19] : memref<196608xi32, #tpu.memory_space<hbm>> -> memref<128xi32, #tpu.memory_space<hbm>>
      tpu.enqueue_dma source(%dma_start3A_30 : memref<128xi32, #tpu.memory_space<hbm>>) target(%arg21 : memref<128xi32, #tpu.memory_space<vmem>>) target_semaphore(%arg36 : memref<!tpu.dma_semaphore, #tpu.memory_space<semaphore_mem>>)
      %dma_start3A_31 = tpu.memref_slice %arg8[%add3A_19] : memref<196608xi32, #tpu.memory_space<hbm>> -> memref<128xi32, #tpu.memory_space<hbm>>
      %dma_start3A_32 = tpu.memref_slice %arg8[%add3A_19] : memref<196608xi32, #tpu.memory_space<hbm>> -> memref<128xi32, #tpu.memory_space<hbm>>
      tpu.enqueue_dma source(%dma_start3A_32 : memref<128xi32, #tpu.memory_space<hbm>>) target(%arg22 : memref<128xi32, #tpu.memory_space<vmem>>) target_semaphore(%arg36 : memref<!tpu.dma_semaphore, #tpu.memory_space<semaphore_mem>>)
      %dma_start3A_33 = arith.constant 0 : i32
      %dma_start3A_34 = tpu.memref_slice %arg9[%add3A_19, %dma_start3A_33] : memref<196608x32xf32, #tpu.memory_space<hbm>> -> memref<128x32xf32, #tpu.memory_space<hbm>>
      %dma_start3A_35 = arith.constant 0 : i32
      %dma_start3A_36 = tpu.memref_slice %arg9[%add3A_19, %dma_start3A_35] : memref<196608x32xf32, #tpu.memory_space<hbm>> -> memref<128x32xf32, #tpu.memory_space<hbm>>
      tpu.enqueue_dma source(%dma_start3A_36 : memref<128x32xf32, #tpu.memory_space<hbm>>) target(%arg30 : memref<128x32xf32, #tpu.memory_space<vmem>>) target_semaphore(%arg36 : memref<!tpu.dma_semaphore, #tpu.memory_space<semaphore_mem>>)
      %dma_start3A_37 = arith.constant 0 : i32
      %dma_start3A_38 = tpu.memref_slice %arg10[%add3A_19, %dma_start3A_37] : memref<196608x32xf32, #tpu.memory_space<hbm>> -> memref<128x32xf32, #tpu.memory_space<hbm>>
      %dma_start3A_39 = arith.constant 0 : i32
      %dma_start3A_40 = tpu.memref_slice %arg10[%add3A_19, %dma_start3A_39] : memref<196608x32xf32, #tpu.memory_space<hbm>> -> memref<128x32xf32, #tpu.memory_space<hbm>>
      tpu.enqueue_dma source(%dma_start3A_40 : memref<128x32xf32, #tpu.memory_space<hbm>>) target(%arg31 : memref<128x32xf32, #tpu.memory_space<vmem>>) target_semaphore(%arg36 : memref<!tpu.dma_semaphore, #tpu.memory_space<semaphore_mem>>)
      %dma_wait3A = tpu.memref_slice %arg2[%add3A_19] : memref<196608xi32, #tpu.memory_space<hbm>> -> memref<128xi32, #tpu.memory_space<hbm>>
      %dma_wait3A_41 = tpu.memref_slice %arg2[%add3A_19] : memref<196608xi32, #tpu.memory_space<hbm>> -> memref<128xi32, #tpu.memory_space<hbm>>
      tpu.wait_dma2 semaphore(%arg36 : memref<!tpu.dma_semaphore, #tpu.memory_space<semaphore_mem>>) src(%dma_wait3A_41 : memref<128xi32, #tpu.memory_space<hbm>>) dst(%arg16 : memref<128xi32, #tpu.memory_space<vmem>>)
      %dma_wait3A_42 = tpu.memref_slice %arg3[%add3A_19] : memref<196608xi32, #tpu.memory_space<hbm>> -> memref<128xi32, #tpu.memory_space<hbm>>
      %dma_wait3A_43 = tpu.memref_slice %arg3[%add3A_19] : memref<196608xi32, #tpu.memory_space<hbm>> -> memref<128xi32, #tpu.memory_space<hbm>>
      tpu.wait_dma2 semaphore(%arg36 : memref<!tpu.dma_semaphore, #tpu.memory_space<semaphore_mem>>) src(%dma_wait3A_43 : memref<128xi32, #tpu.memory_space<hbm>>) dst(%arg17 : memref<128xi32, #tpu.memory_space<vmem>>)
      %dma_wait3A_44 = tpu.memref_slice %arg4[%add3A_19] : memref<196608xi32, #tpu.memory_space<hbm>> -> memref<128xi32, #tpu.memory_space<hbm>>
      %dma_wait3A_45 = tpu.memref_slice %arg4[%add3A_19] : memref<196608xi32, #tpu.memory_space<hbm>> -> memref<128xi32, #tpu.memory_space<hbm>>
      tpu.wait_dma2 semaphore(%arg36 : memref<!tpu.dma_semaphore, #tpu.memory_space<semaphore_mem>>) src(%dma_wait3A_45 : memref<128xi32, #tpu.memory_space<hbm>>) dst(%arg18 : memref<128xi32, #tpu.memory_space<vmem>>)
      %dma_wait3A_46 = tpu.memref_slice %arg5[%add3A_19] : memref<196608xi32, #tpu.memory_space<hbm>> -> memref<128xi32, #tpu.memory_space<hbm>>
      %dma_wait3A_47 = tpu.memref_slice %arg5[%add3A_19] : memref<196608xi32, #tpu.memory_space<hbm>> -> memref<128xi32, #tpu.memory_space<hbm>>
      tpu.wait_dma2 semaphore(%arg36 : memref<!tpu.dma_semaphore, #tpu.memory_space<semaphore_mem>>) src(%dma_wait3A_47 : memref<128xi32, #tpu.memory_space<hbm>>) dst(%arg19 : memref<128xi32, #tpu.memory_space<vmem>>)
      %dma_wait3A_48 = tpu.memref_slice %arg6[%add3A_19] : memref<196608xi32, #tpu.memory_space<hbm>> -> memref<128xi32, #tpu.memory_space<hbm>>
      %dma_wait3A_49 = tpu.memref_slice %arg6[%add3A_19] : memref<196608xi32, #tpu.memory_space<hbm>> -> memref<128xi32, #tpu.memory_space<hbm>>
      tpu.wait_dma2 semaphore(%arg36 : memref<!tpu.dma_semaphore, #tpu.memory_space<semaphore_mem>>) src(%dma_wait3A_49 : memref<128xi32, #tpu.memory_space<hbm>>) dst(%arg20 : memref<128xi32, #tpu.memory_space<vmem>>)
      %dma_wait3A_50 = tpu.memref_slice %arg7[%add3A_19] : memref<196608xi32, #tpu.memory_space<hbm>> -> memref<128xi32, #tpu.memory_space<hbm>>
      %dma_wait3A_51 = tpu.memref_slice %arg7[%add3A_19] : memref<196608xi32, #tpu.memory_space<hbm>> -> memref<128xi32, #tpu.memory_space<hbm>>
      tpu.wait_dma2 semaphore(%arg36 : memref<!tpu.dma_semaphore, #tpu.memory_space<semaphore_mem>>) src(%dma_wait3A_51 : memref<128xi32, #tpu.memory_space<hbm>>) dst(%arg21 : memref<128xi32, #tpu.memory_space<vmem>>)
      %dma_wait3A_52 = tpu.memref_slice %arg8[%add3A_19] : memref<196608xi32, #tpu.memory_space<hbm>> -> memref<128xi32, #tpu.memory_space<hbm>>
      %dma_wait3A_53 = tpu.memref_slice %arg8[%add3A_19] : memref<196608xi32, #tpu.memory_space<hbm>> -> memref<128xi32, #tpu.memory_space<hbm>>
      tpu.wait_dma2 semaphore(%arg36 : memref<!tpu.dma_semaphore, #tpu.memory_space<semaphore_mem>>) src(%dma_wait3A_53 : memref<128xi32, #tpu.memory_space<hbm>>) dst(%arg22 : memref<128xi32, #tpu.memory_space<vmem>>)
      %dma_wait3A_54 = arith.constant 0 : i32
      %dma_wait3A_55 = tpu.memref_slice %arg9[%add3A_19, %dma_wait3A_54] : memref<196608x32xf32, #tpu.memory_space<hbm>> -> memref<128x32xf32, #tpu.memory_space<hbm>>
      %dma_wait3A_56 = arith.constant 0 : i32
      %dma_wait3A_57 = tpu.memref_slice %arg9[%add3A_19, %dma_wait3A_56] : memref<196608x32xf32, #tpu.memory_space<hbm>> -> memref<128x32xf32, #tpu.memory_space<hbm>>
      tpu.wait_dma2 semaphore(%arg36 : memref<!tpu.dma_semaphore, #tpu.memory_space<semaphore_mem>>) src(%dma_wait3A_57 : memref<128x32xf32, #tpu.memory_space<hbm>>) dst(%arg30 : memref<128x32xf32, #tpu.memory_space<vmem>>)
      %dma_wait3A_58 = arith.constant 0 : i32
      %dma_wait3A_59 = tpu.memref_slice %arg10[%add3A_19, %dma_wait3A_58] : memref<196608x32xf32, #tpu.memory_space<hbm>> -> memref<128x32xf32, #tpu.memory_space<hbm>>
      %dma_wait3A_60 = arith.constant 0 : i32
      %dma_wait3A_61 = tpu.memref_slice %arg10[%add3A_19, %dma_wait3A_60] : memref<196608x32xf32, #tpu.memory_space<hbm>> -> memref<128x32xf32, #tpu.memory_space<hbm>>
      tpu.wait_dma2 semaphore(%arg36 : memref<!tpu.dma_semaphore, #tpu.memory_space<semaphore_mem>>) src(%dma_wait3A_61 : memref<128x32xf32, #tpu.memory_space<hbm>>) dst(%arg31 : memref<128x32xf32, #tpu.memory_space<vmem>>)
      %dma_start3A_62 = arith.constant 0 : i32
      %dma_start3A_63 = arith.constant 0 : i32
      %dma_start3A_64 = tpu.memref_slice %arg32[%dma_start3A_62, %dma_start3A_63] : memref<1152x128xf32, #tpu.memory_space<vmem_shared>> -> memref<1152x128xf32, #tpu.memory_space<vmem_shared>>
      tpu.enqueue_indirect_dma source(%dma_start3A_64 : memref<1152x128xf32, #tpu.memory_space<vmem_shared>>) target(%arg23 : memref<128x128xf32, #tpu.memory_space<vmem>>) offsets(%arg16 : memref<128xi32, #tpu.memory_space<vmem>>) semaphore(%arg36 : memref<!tpu.dma_semaphore, #tpu.memory_space<semaphore_mem>>)
      %dma_start3A_65 = arith.constant 0 : i32
      %dma_start3A_66 = arith.constant 0 : i32
      %dma_start3A_67 = tpu.memref_slice %arg34[%dma_start3A_65, %dma_start3A_66] : memref<1024x32xf32, #tpu.memory_space<vmem_shared>> -> memref<1024x32xf32, #tpu.memory_space<vmem_shared>>
      tpu.enqueue_indirect_dma source(%dma_start3A_67 : memref<1024x32xf32, #tpu.memory_space<vmem_shared>>) target(%arg24 : memref<128x32xf32, #tpu.memory_space<vmem>>) offsets(%arg17 : memref<128xi32, #tpu.memory_space<vmem>>) semaphore(%arg36 : memref<!tpu.dma_semaphore, #tpu.memory_space<semaphore_mem>>)
      %dma_start3A_68 = arith.constant 0 : i32
      %dma_start3A_69 = arith.constant 0 : i32
      %dma_start3A_70 = tpu.memref_slice %arg35[%dma_start3A_68, %dma_start3A_69] : memref<384x32xf32, #tpu.memory_space<vmem_shared>> -> memref<384x32xf32, #tpu.memory_space<vmem_shared>>
      tpu.enqueue_indirect_dma source(%dma_start3A_70 : memref<384x32xf32, #tpu.memory_space<vmem_shared>>) target(%arg25 : memref<128x32xf32, #tpu.memory_space<vmem>>) offsets(%arg18 : memref<128xi32, #tpu.memory_space<vmem>>) semaphore(%arg36 : memref<!tpu.dma_semaphore, #tpu.memory_space<semaphore_mem>>)
      %dma_start3A_71 = arith.constant 0 : i32
      %dma_start3A_72 = arith.constant 0 : i32
      %dma_start3A_73 = tpu.memref_slice %arg33[%dma_start3A_71, %dma_start3A_72] : memref<1024x64xf32, #tpu.memory_space<vmem_shared>> -> memref<1024x64xf32, #tpu.memory_space<vmem_shared>>
      tpu.enqueue_indirect_dma source(%dma_start3A_73 : memref<1024x64xf32, #tpu.memory_space<vmem_shared>>) target(%arg26 : memref<128x64xf32, #tpu.memory_space<vmem>>) offsets(%arg19 : memref<128xi32, #tpu.memory_space<vmem>>) semaphore(%arg36 : memref<!tpu.dma_semaphore, #tpu.memory_space<semaphore_mem>>)
      %dma_start3A_74 = arith.constant 0 : i32
      %dma_start3A_75 = arith.constant 0 : i32
      %dma_start3A_76 = tpu.memref_slice %arg33[%dma_start3A_74, %dma_start3A_75] : memref<1024x64xf32, #tpu.memory_space<vmem_shared>> -> memref<1024x64xf32, #tpu.memory_space<vmem_shared>>
      tpu.enqueue_indirect_dma source(%dma_start3A_76 : memref<1024x64xf32, #tpu.memory_space<vmem_shared>>) target(%arg27 : memref<128x64xf32, #tpu.memory_space<vmem>>) offsets(%arg20 : memref<128xi32, #tpu.memory_space<vmem>>) semaphore(%arg36 : memref<!tpu.dma_semaphore, #tpu.memory_space<semaphore_mem>>)
      %dma_start3A_77 = arith.constant 0 : i32
      %dma_start3A_78 = arith.constant 0 : i32
      %dma_start3A_79 = tpu.memref_slice %arg33[%dma_start3A_77, %dma_start3A_78] : memref<1024x64xf32, #tpu.memory_space<vmem_shared>> -> memref<1024x64xf32, #tpu.memory_space<vmem_shared>>
      tpu.enqueue_indirect_dma source(%dma_start3A_79 : memref<1024x64xf32, #tpu.memory_space<vmem_shared>>) target(%arg28 : memref<128x64xf32, #tpu.memory_space<vmem>>) offsets(%arg21 : memref<128xi32, #tpu.memory_space<vmem>>) semaphore(%arg36 : memref<!tpu.dma_semaphore, #tpu.memory_space<semaphore_mem>>)
      %dma_start3A_80 = arith.constant 0 : i32
      %dma_start3A_81 = arith.constant 0 : i32
      %dma_start3A_82 = tpu.memref_slice %arg33[%dma_start3A_80, %dma_start3A_81] : memref<1024x64xf32, #tpu.memory_space<vmem_shared>> -> memref<1024x64xf32, #tpu.memory_space<vmem_shared>>
      tpu.enqueue_indirect_dma source(%dma_start3A_82 : memref<1024x64xf32, #tpu.memory_space<vmem_shared>>) target(%arg29 : memref<128x64xf32, #tpu.memory_space<vmem>>) offsets(%arg22 : memref<128xi32, #tpu.memory_space<vmem>>) semaphore(%arg36 : memref<!tpu.dma_semaphore, #tpu.memory_space<semaphore_mem>>)
      %dma_wait3A_83 = arith.constant 0 : i32
      %dma_wait3A_84 = arith.constant 0 : i32
      %dma_wait3A_85 = tpu.memref_slice %arg32[%dma_wait3A_83, %dma_wait3A_84] : memref<1152x128xf32, #tpu.memory_space<vmem_shared>> -> memref<1152x128xf32, #tpu.memory_space<vmem_shared>>
      tpu.wait_indirect_dma semaphore(%arg36 : memref<!tpu.dma_semaphore, #tpu.memory_space<semaphore_mem>>) src(%dma_wait3A_85 : memref<1152x128xf32, #tpu.memory_space<vmem_shared>>) dst(%arg23 : memref<128x128xf32, #tpu.memory_space<vmem>>)
      %dma_wait3A_86 = arith.constant 0 : i32
      %dma_wait3A_87 = arith.constant 0 : i32
      %dma_wait3A_88 = tpu.memref_slice %arg34[%dma_wait3A_86, %dma_wait3A_87] : memref<1024x32xf32, #tpu.memory_space<vmem_shared>> -> memref<1024x32xf32, #tpu.memory_space<vmem_shared>>
      tpu.wait_indirect_dma semaphore(%arg36 : memref<!tpu.dma_semaphore, #tpu.memory_space<semaphore_mem>>) src(%dma_wait3A_88 : memref<1024x32xf32, #tpu.memory_space<vmem_shared>>) dst(%arg24 : memref<128x32xf32, #tpu.memory_space<vmem>>)
      %dma_wait3A_89 = arith.constant 0 : i32
      %dma_wait3A_90 = arith.constant 0 : i32
      %dma_wait3A_91 = tpu.memref_slice %arg35[%dma_wait3A_89, %dma_wait3A_90] : memref<384x32xf32, #tpu.memory_space<vmem_shared>> -> memref<384x32xf32, #tpu.memory_space<vmem_shared>>
      tpu.wait_indirect_dma semaphore(%arg36 : memref<!tpu.dma_semaphore, #tpu.memory_space<semaphore_mem>>) src(%dma_wait3A_91 : memref<384x32xf32, #tpu.memory_space<vmem_shared>>) dst(%arg25 : memref<128x32xf32, #tpu.memory_space<vmem>>)
      %dma_wait3A_92 = arith.constant 0 : i32
      %dma_wait3A_93 = arith.constant 0 : i32
      %dma_wait3A_94 = tpu.memref_slice %arg33[%dma_wait3A_92, %dma_wait3A_93] : memref<1024x64xf32, #tpu.memory_space<vmem_shared>> -> memref<1024x64xf32, #tpu.memory_space<vmem_shared>>
      tpu.wait_indirect_dma semaphore(%arg36 : memref<!tpu.dma_semaphore, #tpu.memory_space<semaphore_mem>>) src(%dma_wait3A_94 : memref<1024x64xf32, #tpu.memory_space<vmem_shared>>) dst(%arg26 : memref<128x64xf32, #tpu.memory_space<vmem>>)
      %dma_wait3A_95 = arith.constant 0 : i32
      %dma_wait3A_96 = arith.constant 0 : i32
      %dma_wait3A_97 = tpu.memref_slice %arg33[%dma_wait3A_95, %dma_wait3A_96] : memref<1024x64xf32, #tpu.memory_space<vmem_shared>> -> memref<1024x64xf32, #tpu.memory_space<vmem_shared>>
      tpu.wait_indirect_dma semaphore(%arg36 : memref<!tpu.dma_semaphore, #tpu.memory_space<semaphore_mem>>) src(%dma_wait3A_97 : memref<1024x64xf32, #tpu.memory_space<vmem_shared>>) dst(%arg27 : memref<128x64xf32, #tpu.memory_space<vmem>>)
      %dma_wait3A_98 = arith.constant 0 : i32
      %dma_wait3A_99 = arith.constant 0 : i32
      %dma_wait3A_100 = tpu.memref_slice %arg33[%dma_wait3A_98, %dma_wait3A_99] : memref<1024x64xf32, #tpu.memory_space<vmem_shared>> -> memref<1024x64xf32, #tpu.memory_space<vmem_shared>>
      tpu.wait_indirect_dma semaphore(%arg36 : memref<!tpu.dma_semaphore, #tpu.memory_space<semaphore_mem>>) src(%dma_wait3A_100 : memref<1024x64xf32, #tpu.memory_space<vmem_shared>>) dst(%arg28 : memref<128x64xf32, #tpu.memory_space<vmem>>)
      %dma_wait3A_101 = arith.constant 0 : i32
      %dma_wait3A_102 = arith.constant 0 : i32
      %dma_wait3A_103 = tpu.memref_slice %arg33[%dma_wait3A_101, %dma_wait3A_102] : memref<1024x64xf32, #tpu.memory_space<vmem_shared>> -> memref<1024x64xf32, #tpu.memory_space<vmem_shared>>
      tpu.wait_indirect_dma semaphore(%arg36 : memref<!tpu.dma_semaphore, #tpu.memory_space<semaphore_mem>>) src(%dma_wait3A_103 : memref<1024x64xf32, #tpu.memory_space<vmem_shared>>) dst(%arg29 : memref<128x64xf32, #tpu.memory_space<vmem>>)
      %dma_start3A_104 = arith.constant 0 : i32
      %dma_start3A_105 = tpu.memref_slice %arg15[%add3A_19, %dma_start3A_104] : memref<196608x512xf32, #tpu.memory_space<hbm>> -> memref<128x128xf32, #tpu.memory_space<hbm>>
      %dma_start3A_106 = arith.constant 0 : i32
      %dma_start3A_107 = tpu.memref_slice %arg15[%add3A_19, %dma_start3A_106] : memref<196608x512xf32, #tpu.memory_space<hbm>> -> memref<128x128xf32, #tpu.memory_space<hbm>>
      tpu.enqueue_dma source(%arg23 : memref<128x128xf32, #tpu.memory_space<vmem>>) target(%dma_start3A_107 : memref<128x128xf32, #tpu.memory_space<hbm>>) target_semaphore(%arg37 : memref<!tpu.dma_semaphore, #tpu.memory_space<semaphore_mem>>)
      %dma_start3A_108 = arith.constant 128 : i32
      %dma_start3A_109 = tpu.memref_slice %arg15[%add3A_19, %dma_start3A_108] : memref<196608x512xf32, #tpu.memory_space<hbm>> -> memref<128x32xf32, #tpu.memory_space<hbm>>
      %dma_start3A_110 = arith.constant 128 : i32
      %dma_start3A_111 = tpu.memref_slice %arg15[%add3A_19, %dma_start3A_110] : memref<196608x512xf32, #tpu.memory_space<hbm>> -> memref<128x32xf32, #tpu.memory_space<hbm>>
      tpu.enqueue_dma source(%arg24 : memref<128x32xf32, #tpu.memory_space<vmem>>) target(%dma_start3A_111 : memref<128x32xf32, #tpu.memory_space<hbm>>) target_semaphore(%arg37 : memref<!tpu.dma_semaphore, #tpu.memory_space<semaphore_mem>>)
      %dma_start3A_112 = arith.constant 160 : i32
      %dma_start3A_113 = tpu.memref_slice %arg15[%add3A_19, %dma_start3A_112] : memref<196608x512xf32, #tpu.memory_space<hbm>> -> memref<128x32xf32, #tpu.memory_space<hbm>>
      %dma_start3A_114 = arith.constant 160 : i32
      %dma_start3A_115 = tpu.memref_slice %arg15[%add3A_19, %dma_start3A_114] : memref<196608x512xf32, #tpu.memory_space<hbm>> -> memref<128x32xf32, #tpu.memory_space<hbm>>
      tpu.enqueue_dma source(%arg25 : memref<128x32xf32, #tpu.memory_space<vmem>>) target(%dma_start3A_115 : memref<128x32xf32, #tpu.memory_space<hbm>>) target_semaphore(%arg37 : memref<!tpu.dma_semaphore, #tpu.memory_space<semaphore_mem>>)
      %dma_start3A_116 = arith.constant 192 : i32
      %dma_start3A_117 = tpu.memref_slice %arg15[%add3A_19, %dma_start3A_116] : memref<196608x512xf32, #tpu.memory_space<hbm>> -> memref<128x64xf32, #tpu.memory_space<hbm>>
      %dma_start3A_118 = arith.constant 192 : i32
      %dma_start3A_119 = tpu.memref_slice %arg15[%add3A_19, %dma_start3A_118] : memref<196608x512xf32, #tpu.memory_space<hbm>> -> memref<128x64xf32, #tpu.memory_space<hbm>>
      tpu.enqueue_dma source(%arg26 : memref<128x64xf32, #tpu.memory_space<vmem>>) target(%dma_start3A_119 : memref<128x64xf32, #tpu.memory_space<hbm>>) target_semaphore(%arg37 : memref<!tpu.dma_semaphore, #tpu.memory_space<semaphore_mem>>)
      %dma_start3A_120 = arith.constant 256 : i32
      %dma_start3A_121 = tpu.memref_slice %arg15[%add3A_19, %dma_start3A_120] : memref<196608x512xf32, #tpu.memory_space<hbm>> -> memref<128x64xf32, #tpu.memory_space<hbm>>
      %dma_start3A_122 = arith.constant 256 : i32
      %dma_start3A_123 = tpu.memref_slice %arg15[%add3A_19, %dma_start3A_122] : memref<196608x512xf32, #tpu.memory_space<hbm>> -> memref<128x64xf32, #tpu.memory_space<hbm>>
      tpu.enqueue_dma source(%arg27 : memref<128x64xf32, #tpu.memory_space<vmem>>) target(%dma_start3A_123 : memref<128x64xf32, #tpu.memory_space<hbm>>) target_semaphore(%arg37 : memref<!tpu.dma_semaphore, #tpu.memory_space<semaphore_mem>>)
      %dma_start3A_124 = arith.constant 320 : i32
      %dma_start3A_125 = tpu.memref_slice %arg15[%add3A_19, %dma_start3A_124] : memref<196608x512xf32, #tpu.memory_space<hbm>> -> memref<128x64xf32, #tpu.memory_space<hbm>>
      %dma_start3A_126 = arith.constant 320 : i32
      %dma_start3A_127 = tpu.memref_slice %arg15[%add3A_19, %dma_start3A_126] : memref<196608x512xf32, #tpu.memory_space<hbm>> -> memref<128x64xf32, #tpu.memory_space<hbm>>
      tpu.enqueue_dma source(%arg28 : memref<128x64xf32, #tpu.memory_space<vmem>>) target(%dma_start3A_127 : memref<128x64xf32, #tpu.memory_space<hbm>>) target_semaphore(%arg37 : memref<!tpu.dma_semaphore, #tpu.memory_space<semaphore_mem>>)
      %dma_start3A_128 = arith.constant 384 : i32
      %dma_start3A_129 = tpu.memref_slice %arg15[%add3A_19, %dma_start3A_128] : memref<196608x512xf32, #tpu.memory_space<hbm>> -> memref<128x64xf32, #tpu.memory_space<hbm>>
      %dma_start3A_130 = arith.constant 384 : i32
      %dma_start3A_131 = tpu.memref_slice %arg15[%add3A_19, %dma_start3A_130] : memref<196608x512xf32, #tpu.memory_space<hbm>> -> memref<128x64xf32, #tpu.memory_space<hbm>>
      tpu.enqueue_dma source(%arg29 : memref<128x64xf32, #tpu.memory_space<vmem>>) target(%dma_start3A_131 : memref<128x64xf32, #tpu.memory_space<hbm>>) target_semaphore(%arg37 : memref<!tpu.dma_semaphore, #tpu.memory_space<semaphore_mem>>)
      %dma_start3A_132 = arith.constant 448 : i32
      %dma_start3A_133 = tpu.memref_slice %arg15[%add3A_19, %dma_start3A_132] : memref<196608x512xf32, #tpu.memory_space<hbm>> -> memref<128x32xf32, #tpu.memory_space<hbm>>
      %dma_start3A_134 = arith.constant 448 : i32
      %dma_start3A_135 = tpu.memref_slice %arg15[%add3A_19, %dma_start3A_134] : memref<196608x512xf32, #tpu.memory_space<hbm>> -> memref<128x32xf32, #tpu.memory_space<hbm>>
      tpu.enqueue_dma source(%arg30 : memref<128x32xf32, #tpu.memory_space<vmem>>) target(%dma_start3A_135 : memref<128x32xf32, #tpu.memory_space<hbm>>) target_semaphore(%arg37 : memref<!tpu.dma_semaphore, #tpu.memory_space<semaphore_mem>>)
      %dma_start3A_136 = arith.constant 480 : i32
      %dma_start3A_137 = tpu.memref_slice %arg15[%add3A_19, %dma_start3A_136] : memref<196608x512xf32, #tpu.memory_space<hbm>> -> memref<128x32xf32, #tpu.memory_space<hbm>>
      %dma_start3A_138 = arith.constant 480 : i32
      %dma_start3A_139 = tpu.memref_slice %arg15[%add3A_19, %dma_start3A_138] : memref<196608x512xf32, #tpu.memory_space<hbm>> -> memref<128x32xf32, #tpu.memory_space<hbm>>
      tpu.enqueue_dma source(%arg31 : memref<128x32xf32, #tpu.memory_space<vmem>>) target(%dma_start3A_139 : memref<128x32xf32, #tpu.memory_space<hbm>>) target_semaphore(%arg37 : memref<!tpu.dma_semaphore, #tpu.memory_space<semaphore_mem>>)
      %dma_wait3A_140 = arith.constant 0 : i32
      %dma_wait3A_141 = tpu.memref_slice %arg15[%add3A_19, %dma_wait3A_140] : memref<196608x512xf32, #tpu.memory_space<hbm>> -> memref<128x128xf32, #tpu.memory_space<hbm>>
      %dma_wait3A_142 = arith.constant 0 : i32
      %dma_wait3A_143 = tpu.memref_slice %arg15[%add3A_19, %dma_wait3A_142] : memref<196608x512xf32, #tpu.memory_space<hbm>> -> memref<128x128xf32, #tpu.memory_space<hbm>>
      tpu.wait_dma2 semaphore(%arg37 : memref<!tpu.dma_semaphore, #tpu.memory_space<semaphore_mem>>) src(%arg23 : memref<128x128xf32, #tpu.memory_space<vmem>>) dst(%dma_wait3A_143 : memref<128x128xf32, #tpu.memory_space<hbm>>)
      %dma_wait3A_144 = arith.constant 128 : i32
      %dma_wait3A_145 = tpu.memref_slice %arg15[%add3A_19, %dma_wait3A_144] : memref<196608x512xf32, #tpu.memory_space<hbm>> -> memref<128x32xf32, #tpu.memory_space<hbm>>
      %dma_wait3A_146 = arith.constant 128 : i32
      %dma_wait3A_147 = tpu.memref_slice %arg15[%add3A_19, %dma_wait3A_146] : memref<196608x512xf32, #tpu.memory_space<hbm>> -> memref<128x32xf32, #tpu.memory_space<hbm>>
      tpu.wait_dma2 semaphore(%arg37 : memref<!tpu.dma_semaphore, #tpu.memory_space<semaphore_mem>>) src(%arg24 : memref<128x32xf32, #tpu.memory_space<vmem>>) dst(%dma_wait3A_147 : memref<128x32xf32, #tpu.memory_space<hbm>>)
      %dma_wait3A_148 = arith.constant 160 : i32
      %dma_wait3A_149 = tpu.memref_slice %arg15[%add3A_19, %dma_wait3A_148] : memref<196608x512xf32, #tpu.memory_space<hbm>> -> memref<128x32xf32, #tpu.memory_space<hbm>>
      %dma_wait3A_150 = arith.constant 160 : i32
      %dma_wait3A_151 = tpu.memref_slice %arg15[%add3A_19, %dma_wait3A_150] : memref<196608x512xf32, #tpu.memory_space<hbm>> -> memref<128x32xf32, #tpu.memory_space<hbm>>
      tpu.wait_dma2 semaphore(%arg37 : memref<!tpu.dma_semaphore, #tpu.memory_space<semaphore_mem>>) src(%arg25 : memref<128x32xf32, #tpu.memory_space<vmem>>) dst(%dma_wait3A_151 : memref<128x32xf32, #tpu.memory_space<hbm>>)
      %dma_wait3A_152 = arith.constant 192 : i32
      %dma_wait3A_153 = tpu.memref_slice %arg15[%add3A_19, %dma_wait3A_152] : memref<196608x512xf32, #tpu.memory_space<hbm>> -> memref<128x64xf32, #tpu.memory_space<hbm>>
      %dma_wait3A_154 = arith.constant 192 : i32
      %dma_wait3A_155 = tpu.memref_slice %arg15[%add3A_19, %dma_wait3A_154] : memref<196608x512xf32, #tpu.memory_space<hbm>> -> memref<128x64xf32, #tpu.memory_space<hbm>>
      tpu.wait_dma2 semaphore(%arg37 : memref<!tpu.dma_semaphore, #tpu.memory_space<semaphore_mem>>) src(%arg26 : memref<128x64xf32, #tpu.memory_space<vmem>>) dst(%dma_wait3A_155 : memref<128x64xf32, #tpu.memory_space<hbm>>)
      %dma_wait3A_156 = arith.constant 256 : i32
      %dma_wait3A_157 = tpu.memref_slice %arg15[%add3A_19, %dma_wait3A_156] : memref<196608x512xf32, #tpu.memory_space<hbm>> -> memref<128x64xf32, #tpu.memory_space<hbm>>
      %dma_wait3A_158 = arith.constant 256 : i32
      %dma_wait3A_159 = tpu.memref_slice %arg15[%add3A_19, %dma_wait3A_158] : memref<196608x512xf32, #tpu.memory_space<hbm>> -> memref<128x64xf32, #tpu.memory_space<hbm>>
      tpu.wait_dma2 semaphore(%arg37 : memref<!tpu.dma_semaphore, #tpu.memory_space<semaphore_mem>>) src(%arg27 : memref<128x64xf32, #tpu.memory_space<vmem>>) dst(%dma_wait3A_159 : memref<128x64xf32, #tpu.memory_space<hbm>>)
      %dma_wait3A_160 = arith.constant 320 : i32
      %dma_wait3A_161 = tpu.memref_slice %arg15[%add3A_19, %dma_wait3A_160] : memref<196608x512xf32, #tpu.memory_space<hbm>> -> memref<128x64xf32, #tpu.memory_space<hbm>>
      %dma_wait3A_162 = arith.constant 320 : i32
      %dma_wait3A_163 = tpu.memref_slice %arg15[%add3A_19, %dma_wait3A_162] : memref<196608x512xf32, #tpu.memory_space<hbm>> -> memref<128x64xf32, #tpu.memory_space<hbm>>
      tpu.wait_dma2 semaphore(%arg37 : memref<!tpu.dma_semaphore, #tpu.memory_space<semaphore_mem>>) src(%arg28 : memref<128x64xf32, #tpu.memory_space<vmem>>) dst(%dma_wait3A_163 : memref<128x64xf32, #tpu.memory_space<hbm>>)
      %dma_wait3A_164 = arith.constant 384 : i32
      %dma_wait3A_165 = tpu.memref_slice %arg15[%add3A_19, %dma_wait3A_164] : memref<196608x512xf32, #tpu.memory_space<hbm>> -> memref<128x64xf32, #tpu.memory_space<hbm>>
      %dma_wait3A_166 = arith.constant 384 : i32
      %dma_wait3A_167 = tpu.memref_slice %arg15[%add3A_19, %dma_wait3A_166] : memref<196608x512xf32, #tpu.memory_space<hbm>> -> memref<128x64xf32, #tpu.memory_space<hbm>>
      tpu.wait_dma2 semaphore(%arg37 : memref<!tpu.dma_semaphore, #tpu.memory_space<semaphore_mem>>) src(%arg29 : memref<128x64xf32, #tpu.memory_space<vmem>>) dst(%dma_wait3A_167 : memref<128x64xf32, #tpu.memory_space<hbm>>)
      %dma_wait3A_168 = arith.constant 448 : i32
      %dma_wait3A_169 = tpu.memref_slice %arg15[%add3A_19, %dma_wait3A_168] : memref<196608x512xf32, #tpu.memory_space<hbm>> -> memref<128x32xf32, #tpu.memory_space<hbm>>
      %dma_wait3A_170 = arith.constant 448 : i32
      %dma_wait3A_171 = tpu.memref_slice %arg15[%add3A_19, %dma_wait3A_170] : memref<196608x512xf32, #tpu.memory_space<hbm>> -> memref<128x32xf32, #tpu.memory_space<hbm>>
      tpu.wait_dma2 semaphore(%arg37 : memref<!tpu.dma_semaphore, #tpu.memory_space<semaphore_mem>>) src(%arg30 : memref<128x32xf32, #tpu.memory_space<vmem>>) dst(%dma_wait3A_171 : memref<128x32xf32, #tpu.memory_space<hbm>>)
      %dma_wait3A_172 = arith.constant 480 : i32
      %dma_wait3A_173 = tpu.memref_slice %arg15[%add3A_19, %dma_wait3A_172] : memref<196608x512xf32, #tpu.memory_space<hbm>> -> memref<128x32xf32, #tpu.memory_space<hbm>>
      %dma_wait3A_174 = arith.constant 480 : i32
      %dma_wait3A_175 = tpu.memref_slice %arg15[%add3A_19, %dma_wait3A_174] : memref<196608x512xf32, #tpu.memory_space<hbm>> -> memref<128x32xf32, #tpu.memory_space<hbm>>
      tpu.wait_dma2 semaphore(%arg37 : memref<!tpu.dma_semaphore, #tpu.memory_space<semaphore_mem>>) src(%arg31 : memref<128x32xf32, #tpu.memory_space<vmem>>) dst(%dma_wait3A_175 : memref<128x32xf32, #tpu.memory_space<hbm>>)
    }
    %scan3A_15 = arith.constant 48 : i32
    return
  }
}

</mosaic_0001>

<sc_bundles>
// kernel: kernel.3.cloned.1.call-start
scs
__scs_entry_jumppad:
0x0: {  	(pc) =	sbr.rel $0x88, $3  }
0x1: {  	(tag) =	ssettag $0x0;
	lr =	simm.s32 $0x1  }
0x2: {  	[smem:$0x3F95] =	sst lr;
	_ =	strace $0xD0000000  }
0x3: {  	_ = 	snop  }
0x4: {  	_ = 	snop  }
0x5: {  	_ = 	snop  }
0x6: {  	_ = 	snop  }
0x7: {  	_ = 	snop  }
__scs_overlays_trampoline_lowered:
0x8: {  	[smem:$0x3FA4] =	sst s0  }
0x9: {  	[smem:$0x3FA5] =	sst s1  }
0xa: {  	[smem:$0x3FA6] =	sst s2  }
0xb: {  	[smem:$0x3FA7] =	sst s3  }
0xc: {  	[smem:$0x3FA8] =	sst s4  }
0xd: {  	[smem:$0x3FA9] =	sst s5  }
0xe: {  	[smem:$0x3FAA] =	sst s6  }
0xf: {  	[smem:$0x3FAB] =	sst s7  }
0x10: {  	[smem:$0x3FAC] =	sst s8  }
0x11: {  	[smem:$0x3FAD] =	sst s9;
	s0 =	simm.s32 @!p0 $0x0  }
0x12: {  	s1 =	sld [smem:$0x3F93];
	s0 =	simm.s32 @p0 $0x1  }
0x13: {  	[smem:$0x3FAE] =	sst s0;
	s0 =	simm.s32 @!p1 $0x0  }
0x14: {  	s2 =	sld [smem:$0x3F92];
	s0 =	simm.s32 @p1 $0x1  }
0x15: {  	[smem:$0x3FAF] =	sst s0;
	s0 =	simm.s32 @!p2 $0x0  }
0x16: {  	s3 =	sld [smem:$0x3FDB];
	s0 =	simm.s32 @p2 $0x1  }
0x17: {  	s4 =	simm.s32 $0x1BF5;
	[smem:$0x3FB1] =	sst s0  }
0x18: {  	s0 =	sld [smem:$0x3F94];
	_ =	swait.ge [sflag:s4], $0x0  }
0x19: {  	s7 =	sld [smem:$0x3F95]  }
0x1a: {  	s8 =	sadd.s32 $0xFFFFE003, lr  }
0x1b: {  	s9 =	sadd.s32 $0xFFFFFEF7, lr;
	s5 =	simm.s32 $0xFFFFFFFF;
	p2 =	slt.u32 s8, $0xFFFFF086  }
0x1c: {  	p1 =	slt.u32 s9, $0xF7A;
	s5 =	simm.s32 @!p2 $0x0  }
0x1d: {  	s5 =	simm.s32 @p1 $0x1;
	p0 =	seq.s32 s7, s2  }
0x1e: {  	s7 =	smul.u32 @!p0 $0xF7A, s2;
	p2 =	seq.s32 @!p0 s5, $0x0  }
0x1f: {  	s9 =	smul.u32 $0xF7A, s1;
	s8 =	simm.s32 @!p0 $0x1BF5;
	p2 =	por !p2, p0  }
0x20: {  	[sflag:s8] =	ssyncset.s32 @!p0 $0xFFFFF086;
	s6 =	sadd.s32 @!p0 s3, s7;
	s7 =	simm.s32 @!p0 $0x108  }
0x21: {  	s3 =	sadd.s32 s3, s9;
	s6 =	sadd.s32 @!p0 $0x88, s6;
	s7 =	simm.s32 @p2 $0x1082  }
0x22: {  	[simem:s7], [sflag:s8] =	dma.local @!p0 [hbm:s6], $0xF7A  }
0x23: {  	s9 =	sor.u32 $0xD0000000, s2;
	s6 =	simm.s32 $0x108;
	_ =	swait.ge @!p0 [sflag:s8], $0x0  }
0x24: {  	s3 =	sadd.s32 $0x88, s3;
	s6 =	simm.s32 @!p1 $0x1082;
	[sflag:s4] =	ssyncset.s32 $0xFFFFF086  }
0x25: {  	[simem:s6], [sflag:s4] =	dma.local [hbm:s3], $0xF7A  }
0x26: {  	[smem:$0x3F95] =	sst s1;
	(tag) =	ssettag s2;
	_ =	strace s9  }
0x27: {  	s1 =	sld [smem:$0x3FA5]  }
0x28: {  	s2 =	sld [smem:$0x3FA6]  }
0x29: {  	s4 =	sld [smem:$0x3FA8]  }
0x2a: {  	p0 =	seq.s32 s5, $0x0;
	s5 =	sld [smem:$0x3FA9]  }
0x2b: {  	s6 =	sld [smem:$0x3FAA]  }
0x2c: {  	s7 =	sld [smem:$0x3FAB]  }
0x2d: {  	s3 =	simm.s32 $0x108;
	s8 =	sld [smem:$0x3FAC]  }
0x2e: {  	s3 =	simm.s32 @!p0 $0x1082;
	s9 =	sld [smem:$0x3FAD]  }
0x2f: {  	lr =	sadd.s32 s0, s3;
	s0 =	sld [smem:$0x3FA4]  }
0x30: {  	s3 =	sld [smem:$0x3FA7]  }
0x31: {  	[smem:$0x3FB0] =	sst s10  }
0x32: {  	s10 =	sld [smem:$0x3FAE];
	_ =	sdelay $0x3  }
0x33: {  	p0 =	seq.s32 s10, $0x1;
	s10 =	sld [smem:$0x3FB0];
	_ =	sdelay $0x3  }
0x34: {  	[smem:$0x3FB0] =	sst s10  }
0x35: {  	s10 =	sld [smem:$0x3FAF];
	_ =	sdelay $0x3  }
0x36: {  	p1 =	seq.s32 s10, $0x1;
	s10 =	sld [smem:$0x3FB0];
	_ =	sdelay $0x3  }
0x37: {  	[smem:$0x3FB0] =	sst s10  }
0x38: {  	s10 =	sld [smem:$0x3FB1]  }
0x39: {  	_ = 	snop;
	(pc) =	sbr.ind lr, $3  }
0x3a: {  	_ = 	snop  }
0x3b: {  	_ = 	snop  }
0x3c: {  	p2 =	seq.s32 s10, $0x1;
	s10 =	sld [smem:$0x3FB0]  }
0x3d: {  	_ =	shalt  }
0x3e: {  	_ =	shalt  }
0x3f: {  	_ =	shalt  }
0x40: {  	_ =	shalt  }
0x41: {  	_ =	shalt  }
0x42: {  	_ =	shalt  }
0x43: {  	_ =	shalt  }
0x44: {  	_ =	shalt  }
0x45: {  	_ =	shalt  }
0x46: {  	_ =	shalt  }
0x47: {  	_ =	shalt  }
0x48: {  	_ =	shalt  }
0x49: {  	_ =	shalt  }
0x4a: {  	_ =	shalt  }
0x4b: {  	_ =	shalt  }
0x4c: {  	_ =	shalt  }
0x4d: {  	_ =	shalt  }
0x4e: {  	_ =	shalt  }
0x4f: {  	_ =	shalt  }
0x50: {  	_ =	shalt  }
0x51: {  	_ =	shalt  }
0x52: {  	_ =	shalt  }
0x53: {  	_ =	shalt  }
0x54: {  	_ =	shalt  }
0x55: {  	_ =	shalt  }
0x56: {  	_ =	shalt  }
0x57: {  	_ =	shalt  }
0x58: {  	_ =	shalt  }
0x59: {  	_ =	shalt  }
0x5a: {  	_ =	shalt  }
0x5b: {  	_ =	shalt  }
0x5c: {  	_ =	shalt  }
0x5d: {  	_ =	shalt  }
0x5e: {  	_ =	shalt  }
0x5f: {  	_ =	shalt  }
0x60: {  	_ =	shalt  }
0x61: {  	_ =	shalt  }
0x62: {  	_ =	shalt  }
0x63: {  	_ =	shalt  }
0x64: {  	_ =	shalt  }
0x65: {  	_ =	shalt  }
0x66: {  	_ =	shalt  }
0x67: {  	_ =	shalt  }
0x68: {  	_ =	shalt  }
0x69: {  	_ =	shalt  }
0x6a: {  	_ =	shalt  }
0x6b: {  	_ =	shalt  }
0x6c: {  	_ =	shalt  }
0x6d: {  	_ =	shalt  }
0x6e: {  	_ =	shalt  }
0x6f: {  	_ =	shalt  }
0x70: {  	_ =	shalt  }
0x71: {  	_ =	shalt  }
0x72: {  	_ =	shalt  }
0x73: {  	_ =	shalt  }
0x74: {  	_ =	shalt  }
0x75: {  	_ =	shalt  }
0x76: {  	_ =	shalt  }
0x77: {  	_ =	shalt  }
0x78: {  	_ =	shalt  }
0x79: {  	_ =	shalt  }
0x7a: {  	_ =	shalt  }
0x7b: {  	_ =	shalt  }
0x7c: {  	_ =	shalt  }
0x7d: {  	_ =	shalt  }
0x7e: {  	_ =	shalt  }
0x7f: {  	_ =	shalt  }
0x80: {  	_ =	shalt  }
0x81: {  	_ =	shalt  }
0x82: {  	_ =	shalt  }
0x83: {  	_ =	shalt  }
0x84: {  	_ =	shalt  }
0x85: {  	_ =	shalt  }
0x86: {  	_ =	shalt  }
0x87: {  	_ =	shalt  }
.Lfunc_end0:
.L_simem_size_0:
called_computation.1_lowered:
.L_overlay_start_0:
0x88: {  	s2 =	sld [smem:$0x3FD9]  }
0x89: {  	s3 =	sld [smem:$0x3FFE];
	_ =	sdelay $0x1  }
0x8a: {  	s1 =	srdreg.scid  }
0x8b: {  	s0 =	sand.u32 $0x1, s1  }
0x8c: {  	s14 =	sshll.u32 s0, $0xA;
	s2 =	sadd.s32 s3, s2  }
0x8d: {  	s2 =	sadd.s32 s2, s14  }
0x8e: {  	[smem:$0x3FBC] =	sst s2  }
0x8f: {  	_ = 	snop  }
0x90: {  	s2 =	sld [smem:$0x3FD0];
	_ =	sdelay $0x2  }
0x91: {  	s15 =	simm.s32 $0xA;
	s4 =	simm.s32 $0x10  }
0x92: {  	[smem:s4], [sflag:s15] =	dma.local [hbm:s2], $0x1  }
0x93: {  	_ =	swait.eq [sflag:s15], $0x1  }
0x94: {  	s16 =	sld [smem:$0x10];
	[sflag:s15] =	ssyncset.done $0x0  }
0x95: {  	s17 =	sld [smem:$0x11];
	[sflag:s15] =	ssyncadd.s32 $0xFFFFFFFF  }
0x96: {  	s18 =	sld [smem:$0x12];
	(tm) =	ssettm $0x1  }
0x97: {  	s5 =	sld [smem:$0x3FFB];
	_ =	sdelay $0x3  }
0x98: {  	_ =	strace s5  }
0x99: {  	s5 =	sld [smem:$0x3FFC];
	_ =	sdelay $0x3  }
0x9a: {  	_ =	strace s5  }
0x9b: {  	s5 =	sld [smem:$0x3FFD];
	_ =	sdelay $0x3  }
0x9c: {  	_ =	strace s5  }
0x9d: {  	_ =	strace $0x8FFFFFFF  }
0x9e: {  	s19 =	sld [smem:$0x3FDB];
	_ =	sdelay $0x1  }
0x9f: {  	s6 =	simm.s32 $_scs_section_size  }
0xa0: {  	s7 =	simm.s32 $_size__tile_overlayer_lowered;
	s8 =	simm.s32 $_tile_overlayer_lowered  }
0xa1: {  	s22 =	simm.s32 $0x1BFF;
	s21 =	sshll.u32 s8, $0x1;
	s5 =	sadd.s32 s6, s19  }
0xa2: {  	s9 =	simm.s32 $0x0;
	s20 =	sshll.u32 s7, $0x1;
	s7 =	sadd.s32 s21, s5  }
0xa3: {  	[timem:s9], [sflag:s22] =	dma.local [hbm:s7], s20  }
0xa4: {  	_ =	swait.ge [sflag:s22], s20  }
0xa5: {  	s6 =	ssub.s32 $0x0, s20;
	[sflag:s22] =	ssyncset.done $0x0  }
0xa6: {  	[sflag:s22] =	ssyncadd.s32 s6;
	_ =	sdelay $0x1  }
0xa7: {  	s23 =	simm.s32 $0x1B8B  }
0xa8: {  	_ =	swait.ge [sflag:s23], $0x1  }
0xa9: {  	[sflag:s23] =	ssyncset.done $0x0  }
0xaa: {  	s25 =	simm.s32 $0x1B8E;
	s24 =	sld [smem:$0x3FFE];
	[sflag:s23] =	ssyncadd.s32 $0xFFFFFFFF  }
0xab: {  	s26 =	simm.s32 $execute0_lowered;
	[smem:$0x3FD2] =	sst s25  }
0xac: {  	s7 =	sshll.u32 s26, $0x1;
	_ =	strace $0x80000046;
	[dreg:$0x1] =	wrdreg $0xFFFFFFFF  }
0xad: {  	s28 =	simm.s32 $_size_execute0_lowered;
	s5 =	sadd.s32 s5, s7;
	[dreg:$0x0] =	wrdreg $0x0  }
0xae: {  	s7 =	sshll.u32 s28, $0x1;
	[dreg:$0x2] =	wrdreg s5  }
0xaf: {  	[dreg:$0x3] =	wrdreg s7  }
0xb0: {  	[dreg:$0x4] =	wrdreg $0xC0  }
0xb1: {  	_ =	task [dreg:s9], $0x5FFFF  }
0xb2: {  	[dreg:$0x1] =	wrdreg $0xFFFFFFFF  }
0xb3: {  	[dreg:$0x0] =	wrdreg $0x60  }
0xb4: {  	[dreg:$0x2] =	wrdreg s16  }
0xb5: {  	[dreg:$0x3] =	wrdreg s17  }
0xb6: {  	[dreg:$0x4] =	wrdreg s24  }
0xb7: {  	[dreg:$0x5] =	wrdreg s18  }
0xb8: {  	[dreg:$0x6] =	wrdreg $0x103800  }
0xb9: {  	[dreg:$0x7] =	wrdreg $0x127800  }
0xba: {  	[dreg:$0x8] =	wrdreg $0x137800  }
0xbb: {  	[dreg:$0x9] =	wrdreg $0x13F800  }
0xbc: {  	[dreg:$0xa] =	wrdreg $0x9  }
0xbd: {  	_ =	task.clear_ibuf [dreg:s9], $0xBFFFF;
	_ =	strace $0x90000046  }
0xbe: {  	s29 =	simm.s32 $0x9;
	_ =	strace $0x80000048  }
0xbf: {  	_ =	swait.ge [sflag:s29], $0x1  }
0xc0: {  	[sflag:s29] =	ssyncadd.s32 $0xFFFFFFFF  }
0xc1: {  	_ =	strace $0x90000048  }
0xc2: {  	_ =	sfence  }
0xc3: {  	s30 =	sld [smem:$0x0];
	_ =	sdelay $0x2  }
0xc4: {  	s31 =	sshll.u32 s1, $0xD;
	s1 =	sshrl.u32 s1, $0x2  }
0xc5: {  	s3 =	sand.u32 $0x4000, s31;
	s1 =	sadd.s32 s1, s30  }
0xc6: {  	s0 =	sor.u32 s3, s0;
	s1 =	sshll.u32 s1, $0x11  }
0xc7: {  	s0 =	sor.u32 s1, s0  }
0xc8: {  	s0 =	sadd.s32 $0x8F2B, s0  }
0xc9: {  	[sflag:s0] =	ssyncadd.remote.s32 $0x1  }
0xca: {  	_ =	sfence.sel $0xFFFF  }
0xcb: {  	[dreg:$0x0] =	wrdreg $0xFFFFFFFF;
	(pc) =	sbr.abs _section_cstart, $3  }
0xcc: {  	[dreg:$0x1] =	wrdreg $0xFFFFFFFF  }
0xcd: {  	_ =	task.clear_ibuf [dreg:s9], $0x2FFFF;
	_ =	strace $0x9FFFFFFF  }
0xce: {  	(tm) =	ssettm $0x7FFFFFFF  }
0xcf: {  	_ =	shalt  }
tec
execute0_lowered:
.L_overlay_start_1:
0x0: {  	(tag) =	ssettag $0x1  }
0x1: {  	s0 =	rddreg [dreg:$0x2]  }
0x2: {  	s1 =	rddreg [dreg:$0x3]  }
0x3: {  	s14 =	rddreg [dreg:$0x4]  }
0x4: {  	s4 =	rddreg [dreg:$0x5]  }
0x5: {  	s15 =	rddreg [dreg:$0x6]  }
0x6: {  	s17 =	rddreg [dreg:$0x7];
	s8 =	simm.s32 $0x0;
	s16 =	stileid.u32  }
0x7: {  	s9 =	srdreg.scid;
	[smem:$0x7FF] =	sst s8  }
0x8: {  	s2 =	smul.u32 $0x2400, s16;
	s3 =	sadd.s32 $0x19B600, s0;
	s25 =	sadd.s32 $0x15600, s0  }
0x9: {  	s26 =	smul.u32 $0xC000, s16;
	s5 =	sadd.s32 $0xF600, s0;
	s28 =	sadd.s32 $0x9600, s0  }
0xa: {  	s6 =	sadd.s32 $0x3600, s0;
	_ =	strace $0x80000047;
	[dreg:$0xa] =	wrdreg s3  }
0xb: {  	s30 =	sshll.u32 s16, $0x9;
	s7 =	smul.u32 $0x300, s16;
	[dreg:$0xb] =	wrdreg s25  }
0xc: {  	s10 =	sshll.u32 s16, $0x8;
	s9 =	sand.u32 $0x1, s9;
	[dreg:$0xc] =	wrdreg s5  }
0xd: {  	s13 =	smul.u32 $0xC0000, s16;
	s19 =	sshll.u32 s16, $0xC;
	[dreg:$0xd] =	wrdreg s28  }
0xe: {  	s21 =	smul.u32 $0x3000, s16;
	s23 =	sshll.u32 s16, $0xB;
	[dreg:$0xe] =	wrdreg s6  }
0xf: {  	s6 =	sadd.s32 s30, s0;
	s10 =	sadd.s32 s10, s0;
	s20 =	smul.u32 $0x6000, s9  }
0x10: {  	s12 =	ssub.s32 $0x2, s9;
	s24 =	smul.u32 $0x1800, s9;
	s29 =	sshrl.u32 s2, $0x3  }
0x11: {  	s3 =	sadd.s32 s26, s0;
	s11 =	sshrl.u32 s7, $0x3;
	s31 =	sshrl.u32 s12, $0x1  }
0x12: {  	s2 =	sadd.s32 s2, s14;
	s18 =	sadd.s32 $0x1A1600, s6;
	s1 =	sadd.s32 s13, s1  }
0x13: {  	s25 =	sadd.s32 $0x1A3600, s10;
	s26 =	sadd.s32 s7, s17;
	[dreg:$0x10] =	wrdreg s2  }
0x14: {  	s10 =	simm.s32 $0x2;
	s5 =	sadd.s32 s29, s0;
	[dreg:$0x11] =	wrdreg s18  }
0x15: {  	s0 =	sadd.s32 s11, s0;
	s11 =	ssub.s32 s12, s31;
	[dreg:$0x13] =	wrdreg s25  }
0x16: {  	s12 =	smul.u32 $0x60000, s9;
	s2 =	sadd.s32 s19, s4;
	[dreg:$0x16] =	wrdreg s26  }
0x17: {  	s22 =	sadd.s32 s20, s3;
	s3 =	sadd.s32 s23, s15;
	[dreg:$0x12] =	wrdreg s2  }
0x18: {  	s29 =	sadd.s32 s24, s21;
	s5 =	sadd.s32 $0x1A4600, s5;
	[dreg:$0x14] =	wrdreg s3  }
0x19: {  	s18 =	simm.s32 $0x1;
	s0 =	sadd.s32 $0x1A8E00, s0;
	[dreg:$0xf] =	wrdreg s5  }
0x1a: {  	s9 =	simm.s32 $0x40;
	s28 =	smax.u32 s11, $0x1;
	[dreg:$0x15] =	wrdreg s0  }
0x1b: {  	s30 =	sadd.s32 $0xDB600, s22;
	s31 =	sadd.s32 $0x1B600, s22;
	[dreg:$0x17] =	wrdreg s28  }
0x1c: {  	s25 =	sshrl.u32 s29, $0x3;
	s2 =	simm.s32 $0x80;
	[dreg:$0x18] =	wrdreg s30  }
0x1d: {  	s22 =	simm.s32 $0x20;
	s1 =	sadd.s32 s12, s1;
	[dreg:$0x19] =	wrdreg s31  }
0x1e: {  	s0 =	simm.s32 $0x0;
	[dreg:$0x9] =	wrdreg s1;
	s1 =	simm.s32 $0x200  }
.LBB2_1:
0x1f: {  	[dreg:$0x1a] =	wrdreg s0  }
0x20: {  	s3 =	rddreg [dreg:$0xf];
	s5 =	simm.s32 $0x380;
	s6 =	simm.s32 $0x3  }
0x21: {  	[tilespmem:s5], [sflag:$0x3] =	stream.linear.gather [hbm4b:s3+s8], $0x2400, $0x38;
	[tilespmem:$0x14280] =	vst v63  }
0x22: {  	_ =	swait.ge [sflag:s6], $0x2400  }
0x23: {  	[sflag:s6] =	ssyncset.done $0x0  }
0x24: {  	s7 =	rddreg [dreg:$0x10];
	[sflag:s6] =	ssyncadd.s32 $0xFFFFDC00  }
0x25: {  	[spmem:s7] =	stream.linear.scatter [tilespmem:s5], [sflag:$0x3], $0x2400, $0x38;
	[tilespmem:$0x14280] =	vst v63  }
0x26: {  	_ =	swait.ge [sflag:s6], $0x2400  }
0x27: {  	[sflag:s6] =	ssyncset.done $0x0  }
0x28: {  	s12 =	simm.s32 $0x6380;
	s11 =	rddreg [dreg:$0x11];
	[sflag:s6] =	ssyncadd.s32 $0xFFFFDC00  }
0x29: {  	[tilespmem:s12], [sflag:$0x3] =	stream.linear.gather [hbm4b:s11+s8], $0x1000, $0x38;
	[tilespmem:$0x14280] =	vst v63  }
0x2a: {  	_ =	swait.ge [sflag:s6], $0x1000  }
0x2b: {  	[sflag:s6] =	ssyncset.done $0x0  }
0x2c: {  	s13 =	rddreg [dreg:$0x12];
	[sflag:s6] =	ssyncadd.s32 $0xFFFFF000  }
0x2d: {  	[spmem:s13] =	stream.linear.scatter [tilespmem:s12], [sflag:$0x3], $0x1000, $0x38;
	[tilespmem:$0x14280] =	vst v63  }
0x2e: {  	_ =	swait.ge [sflag:s6], $0x1000  }
0x2f: {  	[sflag:s6] =	ssyncset.done $0x0  }
0x30: {  	s0 =	simm.s32 $0x4380;
	s14 =	rddreg [dreg:$0x13];
	[sflag:s6] =	ssyncadd.s32 $0xFFFFF000  }
0x31: {  	[tilespmem:s0], [sflag:$0x3] =	stream.linear.gather [hbm4b:s14+s8], $0x800, $0x38;
	[tilespmem:$0x14280] =	vst v63  }
0x32: {  	_ =	swait.ge [sflag:s6], $0x800  }
0x33: {  	[sflag:s6] =	ssyncset.done $0x0  }
0x34: {  	s15 =	rddreg [dreg:$0x14];
	[sflag:s6] =	ssyncadd.s32 $0xFFFFF800  }
0x35: {  	[spmem:s15] =	stream.linear.scatter [tilespmem:s0], [sflag:$0x3], $0x800, $0x38;
	[tilespmem:$0x14280] =	vst v63  }
0x36: {  	_ =	swait.ge [sflag:s6], $0x800  }
0x37: {  	[sflag:s6] =	ssyncset.done $0x0  }
0x38: {  	s14 =	simm.s32 $0x5380;
	s16 =	rddreg [dreg:$0x15];
	[sflag:s6] =	ssyncadd.s32 $0xFFFFF800  }
0x39: {  	[tilespmem:s14], [sflag:$0x3] =	stream.linear.gather [hbm4b:s16+s8], $0x300, $0x38;
	[tilespmem:$0x14280] =	vst v63  }
0x3a: {  	_ =	swait.ge [sflag:s6], $0x300  }
0x3b: {  	[sflag:s6] =	ssyncset.done $0x0  }
0x3c: {  	s17 =	rddreg [dreg:$0x16];
	[sflag:s6] =	ssyncadd.s32 $0xFFFFFD00  }
0x3d: {  	[spmem:s17] =	stream.linear.scatter [tilespmem:s14], [sflag:$0x3], $0x300, $0x38;
	[tilespmem:$0x14280] =	vst v63  }
0x3e: {  	_ =	swait.ge [sflag:s6], $0x300  }
0x3f: {  	[sflag:s6] =	ssyncset.done $0x0  }
0x40: {  	[sflag:s6] =	ssyncadd.s32 $0xFFFFFD00  }
0x41: {  	[bflag:$0x0] =	sbarrier.arrive $0xFFFF  }
0x42: {  	s21 =	rddreg [dreg:$0x0]  }
0x43: {  	s7 =	rddreg [dreg:$0x1];
	s19 =	sadd.s32 s21, s25  }
0x44: {  	[tilespmem:s8], [sflag:$0x1] =	stream.linear.gather [hbm4b:s19+s8], $0x80, $0x38;
	[tilespmem:$0x14280] =	vst v63  }
0x45: {  	s13 =	rddreg [dreg:$0xa];
	s20 =	sadd.s32 s7, s25  }
0x46: {  	[tilespmem:s2], [sflag:$0x1] =	stream.linear.gather [hbm4b:s20+s8], $0x80, $0x38;
	[tilespmem:$0x14280] =	vst v63  }
0x47: {  	s6 =	simm.s32 $0x100;
	s23 =	sadd.s32 s13, s25  }
0x48: {  	[tilespmem:s6], [sflag:$0x1] =	stream.linear.gather [hbm4b:s23+s8], $0x80, $0x38;
	[tilespmem:$0x14280] =	vst v63  }
0x49: {  	s23 =	rddreg [dreg:$0xb]  }
0x4a: {  	s15 =	simm.s32 $0x180;
	s24 =	sadd.s32 s23, s25  }
0x4b: {  	[tilespmem:s15], [sflag:$0x1] =	stream.linear.gather [hbm4b:s24+s8], $0x80, $0x38;
	[tilespmem:$0x14280] =	vst v63  }
0x4c: {  	s24 =	rddreg [dreg:$0xc]  }
0x4d: {  	s29 =	rddreg [dreg:$0xd];
	s26 =	sadd.s32 s24, s25  }
0x4e: {  	[tilespmem:s1], [sflag:$0x1] =	stream.linear.gather [hbm4b:s26+s8], $0x80, $0x38;
	[tilespmem:$0x14280] =	vst v63  }
0x4f: {  	s16 =	simm.s32 $0x280;
	s30 =	sadd.s32 s29, s25  }
0x50: {  	[tilespmem:s16], [sflag:$0x1] =	stream.linear.gather [hbm4b:s30+s8], $0x80, $0x38;
	[tilespmem:$0x14280] =	vst v63  }
0x51: {  	s30 =	rddreg [dreg:$0xe]  }
0x52: {  	s17 =	simm.s32 $0x300;
	s31 =	sadd.s32 s30, s25  }
0x53: {  	[tilespmem:s17], [sflag:$0x1] =	stream.linear.gather [hbm4b:s31+s8], $0x80, $0x38;
	[tilespmem:$0x14280] =	vst v63  }
0x54: {  	s11 =	rddreg [dreg:$0x19];
	s19 =	simm.s32 $0xE380  }
0x55: {  	[tilespmem:s19], [sflag:$0x1] =	stream.linear.gather [hbm4b:s11+s8], $0x1000, $0x38;
	[tilespmem:$0x14280] =	vst v63  }
0x56: {  	s20 =	simm.s32 $0xF380;
	s31 =	rddreg [dreg:$0x18]  }
0x57: {  	[tilespmem:s20], [sflag:$0x1] =	stream.linear.gather [hbm4b:s31+s8], $0x1000, $0x38;
	[tilespmem:$0x14280] =	vst v63  }
0x58: {  	_ =	swait.ge [sflag:s18], $0x80  }
0x59: {  	[sflag:s18] =	ssyncset.done $0x0  }
0x5a: {  	[sflag:s18] =	ssyncadd.s32 $0xFFFFFF80  }
0x5b: {  	_ =	swait.ge [sflag:s18], $0x80  }
0x5c: {  	[sflag:s18] =	ssyncset.done $0x0  }
0x5d: {  	[sflag:s18] =	ssyncadd.s32 $0xFFFFFF80  }
0x5e: {  	_ =	swait.ge [sflag:s18], $0x80  }
0x5f: {  	[sflag:s18] =	ssyncset.done $0x0  }
0x60: {  	[sflag:s18] =	ssyncadd.s32 $0xFFFFFF80  }
0x61: {  	_ =	swait.ge [sflag:s18], $0x80  }
0x62: {  	[sflag:s18] =	ssyncset.done $0x0  }
0x63: {  	[sflag:s18] =	ssyncadd.s32 $0xFFFFFF80  }
0x64: {  	_ =	swait.ge [sflag:s18], $0x80  }
0x65: {  	[sflag:s18] =	ssyncset.done $0x0  }
0x66: {  	[sflag:s18] =	ssyncadd.s32 $0xFFFFFF80  }
0x67: {  	_ =	swait.ge [sflag:s18], $0x80  }
0x68: {  	[sflag:s18] =	ssyncset.done $0x0  }
0x69: {  	[sflag:s18] =	ssyncadd.s32 $0xFFFFFF80  }
0x6a: {  	_ =	swait.ge [sflag:s18], $0x80  }
0x6b: {  	[sflag:s18] =	ssyncset.done $0x0  }
0x6c: {  	[sflag:s18] =	ssyncadd.s32 $0xFFFFFF80  }
0x6d: {  	_ =	swait.ge [sflag:s18], $0x1000  }
0x6e: {  	[sflag:s18] =	ssyncset.done $0x0  }
0x6f: {  	[sflag:s18] =	ssyncadd.s32 $0xFFFFF000  }
0x70: {  	_ =	swait.ge [sflag:s18], $0x1000  }
0x71: {  	[sflag:s18] =	ssyncset.done $0x0  }
0x72: {  	[sflag:s18] =	ssyncadd.s32 $0xFFFFF000  }
0x73: {  	s4 =	rddreg [dreg:$0x4]  }
0x74: {  	[tilespmem:s5], [sflag:$0x1] =	stream.indirect.gather [spmem:s4], $0x80, s8, s2, $0xb8;
	[tilespmem:$0x14280] =	vst v63  }
0x75: {  	s26 =	rddreg [dreg:$0x6]  }
0x76: {  	[tilespmem:s0], [sflag:$0x1] =	stream.indirect.gather [spmem:s26], $0x20, s2, s2, $0xb8;
	[tilespmem:$0x14280] =	vst v63  }
0x77: {  	s4 =	rddreg [dreg:$0x7]  }
0x78: {  	[tilespmem:s14], [sflag:$0x1] =	stream.indirect.gather [spmem:s4], $0x20, s6, s2, $0xb8;
	[tilespmem:$0x14280] =	vst v63  }
0x79: {  	s26 =	rddreg [dreg:$0x5]  }
0x7a: {  	[tilespmem:s12], [sflag:$0x1] =	stream.indirect.gather [spmem:s26], $0x40, s15, s2, $0xb8;
	[tilespmem:$0x14280] =	vst v63  }
0x7b: {  	s6 =	simm.s32 $0x8380  }
0x7c: {  	[tilespmem:s6], [sflag:$0x1] =	stream.indirect.gather [spmem:s26], $0x40, s1, s2, $0xb8;
	[tilespmem:$0x14280] =	vst v63  }
0x7d: {  	s4 =	simm.s32 $0xA380  }
0x7e: {  	[tilespmem:s4], [sflag:$0x1] =	stream.indirect.gather [spmem:s26], $0x40, s16, s2, $0xb8;
	[tilespmem:$0x14280] =	vst v63  }
0x7f: {  	s15 =	simm.s32 $0xC380  }
0x80: {  	[tilespmem:s15], [sflag:$0x1] =	stream.indirect.gather [spmem:s26], $0x40, s17, s2, $0xb8;
	[tilespmem:$0x14280] =	vst v63  }
0x81: {  	_ =	swait.ge [sflag:s18], $0x4000  }
0x82: {  	[sflag:s18] =	ssyncset.done $0x0  }
0x83: {  	[sflag:s18] =	ssyncadd.s32 $0xFFFFC000  }
0x84: {  	_ =	swait.ge [sflag:s18], $0x1000  }
0x85: {  	[sflag:s18] =	ssyncset.done $0x0  }
0x86: {  	[sflag:s18] =	ssyncadd.s32 $0xFFFFF000  }
0x87: {  	_ =	swait.ge [sflag:s18], $0x1000  }
0x88: {  	[sflag:s18] =	ssyncset.done $0x0  }
0x89: {  	[sflag:s18] =	ssyncadd.s32 $0xFFFFF000  }
0x8a: {  	_ =	swait.ge [sflag:s18], $0x2000  }
0x8b: {  	[sflag:s18] =	ssyncset.done $0x0  }
0x8c: {  	[sflag:s18] =	ssyncadd.s32 $0xFFFFE000  }
0x8d: {  	_ =	swait.ge [sflag:s18], $0x2000  }
0x8e: {  	[sflag:s18] =	ssyncset.done $0x0  }
0x8f: {  	[sflag:s18] =	ssyncadd.s32 $0xFFFFE000  }
0x90: {  	_ =	swait.ge [sflag:s18], $0x2000  }
0x91: {  	[sflag:s18] =	ssyncset.done $0x0  }
0x92: {  	[sflag:s18] =	ssyncadd.s32 $0xFFFFE000  }
0x93: {  	_ =	swait.ge [sflag:s18], $0x2000  }
0x94: {  	s16 =	rddreg [dreg:$0x9];
	[sflag:s18] =	ssyncset.done $0x0  }
0x95: {  	[sflag:s18] =	ssyncadd.s32 $0xFFFFE000;
	s3 =	sadd.s32 $0x0, s16  }
0x96: {  	[hbm4b:s3+s2] =	stream.strided.scatter [tilespmem:s5], [sflag:$0x2], $0x4000, s1, s2, $0x38;
	[tilespmem:$0x14280] =	vst v63  }
0x97: {  	s17 =	sadd.s32 $0x10, s3  }
0x98: {  	[hbm4b:s17+s22] =	stream.strided.scatter [tilespmem:s0], [sflag:$0x2], $0x1000, s1, s22, $0x38;
	[tilespmem:$0x14280] =	vst v63  }
0x99: {  	s26 =	sadd.s32 $0x14, s3  }
0x9a: {  	[hbm4b:s26+s22] =	stream.strided.scatter [tilespmem:s14], [sflag:$0x2], $0x1000, s1, s22, $0x38;
	[tilespmem:$0x14280] =	vst v63  }
0x9b: {  	s0 =	sadd.s32 $0x18, s3  }
0x9c: {  	[hbm4b:s0+s9] =	stream.strided.scatter [tilespmem:s12], [sflag:$0x2], $0x2000, s1, s9, $0x38;
	[tilespmem:$0x14280] =	vst v63  }
0x9d: {  	s14 =	sadd.s32 $0x20, s3  }
0x9e: {  	[hbm4b:s14+s9] =	stream.strided.scatter [tilespmem:s6], [sflag:$0x2], $0x2000, s1, s9, $0x38;
	[tilespmem:$0x14280] =	vst v63  }
0x9f: {  	s16 =	sadd.s32 $0x28, s3  }
0xa0: {  	[hbm4b:s16+s9] =	stream.strided.scatter [tilespmem:s4], [sflag:$0x2], $0x2000, s1, s9, $0x38;
	[tilespmem:$0x14280] =	vst v63  }
0xa1: {  	s17 =	sadd.s32 $0x30, s3  }
0xa2: {  	[hbm4b:s17+s9] =	stream.strided.scatter [tilespmem:s15], [sflag:$0x2], $0x2000, s1, s9, $0x38;
	[tilespmem:$0x14280] =	vst v63  }
0xa3: {  	s26 =	sadd.s32 $0x38, s3  }
0xa4: {  	[hbm4b:s26+s22] =	stream.strided.scatter [tilespmem:s19], [sflag:$0x2], $0x1000, s1, s22, $0x38;
	[tilespmem:$0x14280] =	vst v63  }
0xa5: {  	s3 =	sadd.s32 $0x3C, s3  }
0xa6: {  	[hbm4b:s3+s22] =	stream.strided.scatter [tilespmem:s20], [sflag:$0x2], $0x1000, s1, s22, $0x38;
	[tilespmem:$0x14280] =	vst v63  }
0xa7: {  	_ =	swait.ge [sflag:s10], $0x4000  }
0xa8: {  	[sflag:s10] =	ssyncset.done $0x0  }
0xa9: {  	[sflag:s10] =	ssyncadd.s32 $0xFFFFC000  }
0xaa: {  	_ =	swait.ge [sflag:s10], $0x1000  }
0xab: {  	[sflag:s10] =	ssyncset.done $0x0  }
0xac: {  	[sflag:s10] =	ssyncadd.s32 $0xFFFFF000  }
0xad: {  	_ =	swait.ge [sflag:s10], $0x1000  }
0xae: {  	[sflag:s10] =	ssyncset.done $0x0  }
0xaf: {  	[sflag:s10] =	ssyncadd.s32 $0xFFFFF000  }
0xb0: {  	_ =	swait.ge [sflag:s10], $0x2000  }
0xb1: {  	[sflag:s10] =	ssyncset.done $0x0  }
0xb2: {  	[sflag:s10] =	ssyncadd.s32 $0xFFFFE000  }
0xb3: {  	_ =	swait.ge [sflag:s10], $0x2000  }
0xb4: {  	[sflag:s10] =	ssyncset.done $0x0  }
0xb5: {  	[sflag:s10] =	ssyncadd.s32 $0xFFFFE000  }
0xb6: {  	_ =	swait.ge [sflag:s10], $0x2000  }
0xb7: {  	[sflag:s10] =	ssyncset.done $0x0  }
0xb8: {  	[sflag:s10] =	ssyncadd.s32 $0xFFFFE000  }
0xb9: {  	_ =	swait.ge [sflag:s10], $0x2000  }
0xba: {  	[sflag:s10] =	ssyncset.done $0x0  }
0xbb: {  	s28 =	sadd.s32 $0x10, s13;
	[sflag:s10] =	ssyncadd.s32 $0xFFFFE000  }
0xbc: {  	s7 =	sadd.s32 $0x10, s7;
	s24 =	sadd.s32 $0x10, s24;
	_ =	swait.ge [sflag:s10], $0x1000  }
0xbd: {  	s13 =	sadd.s32 $0x10, s30;
	s5 =	sadd.s32 $0x10, s23;
	[sflag:s10] =	ssyncset.done $0x0  }
0xbe: {  	s23 =	sadd.s32 $0x200, s11;
	s11 =	smov.u32 s31;
	[sflag:s10] =	ssyncadd.s32 $0xFFFFF000  }
0xbf: {  	s12 =	simm.s32 $0x2000;
	s26 =	simm.s32 $0x4000;
	_ =	swait.ge [sflag:s10], $0x1000  }
0xc0: {  	s3 =	sadd.s32 $0x10, s29;
	s29 =	sadd.s32 $0x10, s21;
	[sflag:s10] =	ssyncset.done $0x0  }
.LBB2_2:
0xc1: {  	s31 =	sadd.s32 s29, s25;
	[sflag:s10] =	ssyncadd.s32 $0xFFFFF000  }
0xc2: {  	[tilespmem:s8], [sflag:$0x1] =	stream.linear.gather [hbm4b:s31+s8], $0x80, $0x38;
	[tilespmem:$0x14280] =	vst v63  }
0xc3: {  	s17 =	sadd.s32 s7, s25  }
0xc4: {  	[tilespmem:s2], [sflag:$0x1] =	stream.linear.gather [hbm4b:s17+s8], $0x80, $0x38;
	[tilespmem:$0x14280] =	vst v63  }
0xc5: {  	s19 =	sadd.s32 s28, s25;
	s0 =	simm.s32 $0x100  }
0xc6: {  	[tilespmem:s0], [sflag:$0x1] =	stream.linear.gather [hbm4b:s19+s8], $0x80, $0x38;
	[tilespmem:$0x14280] =	vst v63  }
0xc7: {  	s20 =	sadd.s32 s5, s25;
	s16 =	simm.s32 $0x180  }
0xc8: {  	[tilespmem:s16], [sflag:$0x1] =	stream.linear.gather [hbm4b:s20+s8], $0x80, $0x38;
	[tilespmem:$0x14280] =	vst v63  }
0xc9: {  	s21 =	sadd.s32 s24, s25  }
0xca: {  	[tilespmem:s1], [sflag:$0x1] =	stream.linear.gather [hbm4b:s21+s8], $0x80, $0x38;
	[tilespmem:$0x14280] =	vst v63  }
0xcb: {  	s4 =	sadd.s32 s3, s25;
	s17 =	simm.s32 $0x280  }
0xcc: {  	[tilespmem:s17], [sflag:$0x1] =	stream.linear.gather [hbm4b:s4+s8], $0x80, $0x38;
	[tilespmem:$0x14280] =	vst v63  }
0xcd: {  	s6 =	sadd.s32 s13, s25;
	s19 =	simm.s32 $0x300  }
0xce: {  	[tilespmem:s19], [sflag:$0x1] =	stream.linear.gather [hbm4b:s6+s8], $0x80, $0x38;
	[tilespmem:$0x14280] =	vst v63  }
0xcf: {  	s20 =	simm.s32 $0xE380  }
0xd0: {  	[tilespmem:s20], [sflag:$0x1] =	stream.linear.gather [hbm4b:s23+s8], $0x1000, $0x38;
	[tilespmem:$0x14280] =	vst v63  }
0xd1: {  	s11 =	sadd.s32 $0x200, s11;
	s21 =	simm.s32 $0xF380  }
0xd2: {  	[tilespmem:s21], [sflag:$0x1] =	stream.linear.gather [hbm4b:s11+s8], $0x1000, $0x38;
	[tilespmem:$0x14280] =	vst v63  }
0xd3: {  	_ =	swait.ge [sflag:s18], $0x80  }
0xd4: {  	[sflag:s18] =	ssyncset.done $0x0  }
0xd5: {  	[sflag:s18] =	ssyncadd.s32 $0xFFFFFF80  }
0xd6: {  	_ =	swait.ge [sflag:s18], $0x80  }
0xd7: {  	[sflag:s18] =	ssyncset.done $0x0  }
0xd8: {  	[sflag:s18] =	ssyncadd.s32 $0xFFFFFF80  }
0xd9: {  	_ =	swait.ge [sflag:s18], $0x80  }
0xda: {  	[sflag:s18] =	ssyncset.done $0x0  }
0xdb: {  	[sflag:s18] =	ssyncadd.s32 $0xFFFFFF80  }
0xdc: {  	_ =	swait.ge [sflag:s18], $0x80  }
0xdd: {  	[sflag:s18] =	ssyncset.done $0x0  }
0xde: {  	[sflag:s18] =	ssyncadd.s32 $0xFFFFFF80  }
0xdf: {  	_ =	swait.ge [sflag:s18], $0x80  }
0xe0: {  	[sflag:s18] =	ssyncset.done $0x0  }
0xe1: {  	[sflag:s18] =	ssyncadd.s32 $0xFFFFFF80  }
0xe2: {  	_ =	swait.ge [sflag:s18], $0x80  }
0xe3: {  	[sflag:s18] =	ssyncset.done $0x0  }
0xe4: {  	[sflag:s18] =	ssyncadd.s32 $0xFFFFFF80  }
0xe5: {  	_ =	swait.ge [sflag:s18], $0x80  }
0xe6: {  	[sflag:s18] =	ssyncset.done $0x0  }
0xe7: {  	[sflag:s18] =	ssyncadd.s32 $0xFFFFFF80  }
0xe8: {  	_ =	swait.ge [sflag:s18], $0x1000  }
0xe9: {  	[sflag:s18] =	ssyncset.done $0x0  }
0xea: {  	[sflag:s18] =	ssyncadd.s32 $0xFFFFF000  }
0xeb: {  	_ =	swait.ge [sflag:s18], $0x1000  }
0xec: {  	[sflag:s18] =	ssyncset.done $0x0  }
0xed: {  	[sflag:s18] =	ssyncadd.s32 $0xFFFFF000  }
0xee: {  	s6 =	simm.s32 $0x380;
	s14 =	rddreg [dreg:$0x4]  }
0xef: {  	[tilespmem:s6], [sflag:$0x1] =	stream.indirect.gather [spmem:s14], $0x80, s8, s2, $0xb8;
	[tilespmem:$0x14280] =	vst v63  }
0xf0: {  	s15 =	rddreg [dreg:$0x6];
	s14 =	simm.s32 $0x4380  }
0xf1: {  	[tilespmem:s14], [sflag:$0x1] =	stream.indirect.gather [spmem:s15], $0x20, s2, s2, $0xb8;
	[tilespmem:$0x14280] =	vst v63  }
0xf2: {  	s4 =	rddreg [dreg:$0x7];
	s15 =	simm.s32 $0x5380  }
0xf3: {  	[tilespmem:s15], [sflag:$0x1] =	stream.indirect.gather [spmem:s4], $0x20, s0, s2, $0xb8;
	[tilespmem:$0x14280] =	vst v63  }
0xf4: {  	s31 =	rddreg [dreg:$0x5];
	s0 =	simm.s32 $0x6380  }
0xf5: {  	[tilespmem:s0], [sflag:$0x1] =	stream.indirect.gather [spmem:s31], $0x40, s16, s2, $0xb8;
	[tilespmem:$0x14280] =	vst v63  }
0xf6: {  	s16 =	simm.s32 $0x8380  }
0xf7: {  	[tilespmem:s16], [sflag:$0x1] =	stream.indirect.gather [spmem:s31], $0x40, s1, s2, $0xb8;
	[tilespmem:$0x14280] =	vst v63  }
0xf8: {  	s4 =	simm.s32 $0xA380  }
0xf9: {  	[tilespmem:s4], [sflag:$0x1] =	stream.indirect.gather [spmem:s31], $0x40, s17, s2, $0xb8;
	[tilespmem:$0x14280] =	vst v63  }
0xfa: {  	s17 =	simm.s32 $0xC380  }
0xfb: {  	[tilespmem:s17], [sflag:$0x1] =	stream.indirect.gather [spmem:s31], $0x40, s19, s2, $0xb8;
	[tilespmem:$0x14280] =	vst v63  }
0xfc: {  	_ =	swait.ge [sflag:s18], $0x4000  }
0xfd: {  	[sflag:s18] =	ssyncset.done $0x0  }
0xfe: {  	[sflag:s18] =	ssyncadd.s32 $0xFFFFC000  }
0xff: {  	_ =	swait.ge [sflag:s18], $0x1000  }
0x100: {  	[sflag:s18] =	ssyncset.done $0x0  }
0x101: {  	[sflag:s18] =	ssyncadd.s32 $0xFFFFF000  }
0x102: {  	_ =	swait.ge [sflag:s18], $0x1000  }
0x103: {  	[sflag:s18] =	ssyncset.done $0x0  }
0x104: {  	[sflag:s18] =	ssyncadd.s32 $0xFFFFF000  }
0x105: {  	_ =	swait.ge [sflag:s18], $0x2000  }
0x106: {  	[sflag:s18] =	ssyncset.done $0x0  }
0x107: {  	[sflag:s18] =	ssyncadd.s32 $0xFFFFE000  }
0x108: {  	_ =	swait.ge [sflag:s18], $0x2000  }
0x109: {  	[sflag:s18] =	ssyncset.done $0x0  }
0x10a: {  	[sflag:s18] =	ssyncadd.s32 $0xFFFFE000  }
0x10b: {  	_ =	swait.ge [sflag:s18], $0x2000  }
0x10c: {  	[sflag:s18] =	ssyncset.done $0x0  }
0x10d: {  	[sflag:s18] =	ssyncadd.s32 $0xFFFFE000  }
0x10e: {  	_ =	swait.ge [sflag:s18], $0x2000  }
0x10f: {  	s19 =	rddreg [dreg:$0x9];
	[sflag:s18] =	ssyncset.done $0x0  }
0x110: {  	[sflag:s18] =	ssyncadd.s32 $0xFFFFE000;
	s31 =	sadd.s32 s12, s19  }
0x111: {  	[hbm4b:s31+s2] =	stream.strided.scatter [tilespmem:s6], [sflag:$0x2], $0x4000, s1, s2, $0x38;
	[tilespmem:$0x14280] =	vst v63  }
0x112: {  	s6 =	sadd.s32 $0x10, s31  }
0x113: {  	[hbm4b:s6+s22] =	stream.strided.scatter [tilespmem:s14], [sflag:$0x2], $0x1000, s1, s22, $0x38;
	[tilespmem:$0x14280] =	vst v63  }
0x114: {  	s19 =	sadd.s32 $0x14, s31  }
0x115: {  	[hbm4b:s19+s22] =	stream.strided.scatter [tilespmem:s15], [sflag:$0x2], $0x1000, s1, s22, $0x38;
	[tilespmem:$0x14280] =	vst v63  }
0x116: {  	s6 =	sadd.s32 $0x18, s31  }
0x117: {  	[hbm4b:s6+s9] =	stream.strided.scatter [tilespmem:s0], [sflag:$0x2], $0x2000, s1, s9, $0x38;
	[tilespmem:$0x14280] =	vst v63  }
0x118: {  	s14 =	sadd.s32 $0x20, s31  }
0x119: {  	[hbm4b:s14+s9] =	stream.strided.scatter [tilespmem:s16], [sflag:$0x2], $0x2000, s1, s9, $0x38;
	[tilespmem:$0x14280] =	vst v63  }
0x11a: {  	s15 =	sadd.s32 $0x28, s31  }
0x11b: {  	[hbm4b:s15+s9] =	stream.strided.scatter [tilespmem:s4], [sflag:$0x2], $0x2000, s1, s9, $0x38;
	[tilespmem:$0x14280] =	vst v63  }
0x11c: {  	s16 =	sadd.s32 $0x30, s31  }
0x11d: {  	[hbm4b:s16+s9] =	stream.strided.scatter [tilespmem:s17], [sflag:$0x2], $0x2000, s1, s9, $0x38;
	[tilespmem:$0x14280] =	vst v63  }
0x11e: {  	s19 =	sadd.s32 $0x38, s31  }
0x11f: {  	[hbm4b:s19+s22] =	stream.strided.scatter [tilespmem:s20], [sflag:$0x2], $0x1000, s1, s22, $0x38;
	[tilespmem:$0x14280] =	vst v63  }
0x120: {  	s31 =	sadd.s32 $0x3C, s31  }
0x121: {  	[hbm4b:s31+s22] =	stream.strided.scatter [tilespmem:s21], [sflag:$0x2], $0x1000, s1, s22, $0x38;
	[tilespmem:$0x14280] =	vst v63  }
0x122: {  	_ =	swait.ge [sflag:s10], $0x4000  }
0x123: {  	[sflag:s10] =	ssyncset.done $0x0  }
0x124: {  	[sflag:s10] =	ssyncadd.s32 $0xFFFFC000  }
0x125: {  	_ =	swait.ge [sflag:s10], $0x1000  }
0x126: {  	[sflag:s10] =	ssyncset.done $0x0  }
0x127: {  	[sflag:s10] =	ssyncadd.s32 $0xFFFFF000  }
0x128: {  	_ =	swait.ge [sflag:s10], $0x1000  }
0x129: {  	[sflag:s10] =	ssyncset.done $0x0  }
0x12a: {  	[sflag:s10] =	ssyncadd.s32 $0xFFFFF000  }
0x12b: {  	_ =	swait.ge [sflag:s10], $0x2000  }
0x12c: {  	[sflag:s10] =	ssyncset.done $0x0  }
0x12d: {  	[sflag:s10] =	ssyncadd.s32 $0xFFFFE000  }
0x12e: {  	_ =	swait.ge [sflag:s10], $0x2000  }
0x12f: {  	[sflag:s10] =	ssyncset.done $0x0  }
0x130: {  	[sflag:s10] =	ssyncadd.s32 $0xFFFFE000  }
0x131: {  	_ =	swait.ge [sflag:s10], $0x2000  }
0x132: {  	[sflag:s10] =	ssyncset.done $0x0  }
0x133: {  	[sflag:s10] =	ssyncadd.s32 $0xFFFFE000  }
0x134: {  	_ =	swait.ge [sflag:s10], $0x2000  }
0x135: {  	s30 =	smov.u32 s26;
	[sflag:s10] =	ssyncset.done $0x0  }
0x136: {  	p0 =	sne.s32 s26, $0x5E000;
	s26 =	sadd.s32 $0x2000, s26;
	[sflag:s10] =	ssyncadd.s32 $0xFFFFE000  }
.Ltmp0:
0x137: {  	s28 =	sadd.s32 $0x10, s28;
	_ =	swait.ge [sflag:s10], $0x1000;
	(pc) =	sbr.rel @p0 .LBB2_2-.Ltmp0, $4  }
0x138: {  	s7 =	sadd.s32 $0x10, s7;
	s24 =	sadd.s32 $0x10, s24;
	[sflag:s10] =	ssyncset.done $0x0  }
0x139: {  	s5 =	sadd.s32 $0x10, s5;
	s13 =	sadd.s32 $0x10, s13;
	[sflag:s10] =	ssyncadd.s32 $0xFFFFF000  }
0x13a: {  	s3 =	sadd.s32 $0x10, s3;
	s29 =	sadd.s32 $0x10, s29;
	_ =	swait.ge [sflag:s10], $0x1000  }
0x13b: {  	s23 =	sadd.s32 $0x200, s23;
	s12 =	smov.u32 s30;
	[sflag:s10] =	ssyncset.done $0x0  }
0x13c: {  	s26 =	sadd.s32 s29, s25;
	[sflag:s10] =	ssyncadd.s32 $0xFFFFF000  }
0x13d: {  	[tilespmem:s8], [sflag:$0x1] =	stream.linear.gather [hbm4b:s26+s8], $0x80, $0x38;
	[tilespmem:$0x14280] =	vst v63  }
0x13e: {  	s7 =	sadd.s32 s7, s25  }
0x13f: {  	[tilespmem:s2], [sflag:$0x1] =	stream.linear.gather [hbm4b:s7+s8], $0x80, $0x38;
	[tilespmem:$0x14280] =	vst v63  }
0x140: {  	s15 =	sadd.s32 s28, s25;
	s0 =	simm.s32 $0x100  }
0x141: {  	[tilespmem:s0], [sflag:$0x1] =	stream.linear.gather [hbm4b:s15+s8], $0x80, $0x38;
	[tilespmem:$0x14280] =	vst v63  }
0x142: {  	s5 =	sadd.s32 s5, s25;
	s14 =	simm.s32 $0x180  }
0x143: {  	[tilespmem:s14], [sflag:$0x1] =	stream.linear.gather [hbm4b:s5+s8], $0x80, $0x38;
	[tilespmem:$0x14280] =	vst v63  }
0x144: {  	s16 =	sadd.s32 s24, s25  }
0x145: {  	[tilespmem:s1], [sflag:$0x1] =	stream.linear.gather [hbm4b:s16+s8], $0x80, $0x38;
	[tilespmem:$0x14280] =	vst v63  }
0x146: {  	s3 =	sadd.s32 s3, s25;
	s15 =	simm.s32 $0x280  }
0x147: {  	[tilespmem:s15], [sflag:$0x1] =	stream.linear.gather [hbm4b:s3+s8], $0x80, $0x38;
	[tilespmem:$0x14280] =	vst v63  }
0x148: {  	s17 =	sadd.s32 s13, s25;
	s19 =	simm.s32 $0x300  }
0x149: {  	[tilespmem:s19], [sflag:$0x1] =	stream.linear.gather [hbm4b:s17+s8], $0x80, $0x38;
	[tilespmem:$0x14280] =	vst v63  }
0x14a: {  	s16 =	simm.s32 $0xE380  }
0x14b: {  	[tilespmem:s16], [sflag:$0x1] =	stream.linear.gather [hbm4b:s23+s8], $0x1000, $0x38;
	[tilespmem:$0x14280] =	vst v63  }
0x14c: {  	s20 =	sadd.s32 $0x200, s11;
	s11 =	simm.s32 $0xF380  }
0x14d: {  	[tilespmem:s11], [sflag:$0x1] =	stream.linear.gather [hbm4b:s20+s8], $0x1000, $0x38;
	[tilespmem:$0x14280] =	vst v63  }
0x14e: {  	_ =	swait.ge [sflag:s18], $0x80  }
0x14f: {  	[sflag:s18] =	ssyncset.done $0x0  }
0x150: {  	[sflag:s18] =	ssyncadd.s32 $0xFFFFFF80  }
0x151: {  	_ =	swait.ge [sflag:s18], $0x80  }
0x152: {  	[sflag:s18] =	ssyncset.done $0x0  }
0x153: {  	[sflag:s18] =	ssyncadd.s32 $0xFFFFFF80  }
0x154: {  	_ =	swait.ge [sflag:s18], $0x80  }
0x155: {  	[sflag:s18] =	ssyncset.done $0x0  }
0x156: {  	[sflag:s18] =	ssyncadd.s32 $0xFFFFFF80  }
0x157: {  	_ =	swait.ge [sflag:s18], $0x80  }
0x158: {  	[sflag:s18] =	ssyncset.done $0x0  }
0x159: {  	[sflag:s18] =	ssyncadd.s32 $0xFFFFFF80  }
0x15a: {  	_ =	swait.ge [sflag:s18], $0x80  }
0x15b: {  	[sflag:s18] =	ssyncset.done $0x0  }
0x15c: {  	[sflag:s18] =	ssyncadd.s32 $0xFFFFFF80  }
0x15d: {  	_ =	swait.ge [sflag:s18], $0x80  }
0x15e: {  	[sflag:s18] =	ssyncset.done $0x0  }
0x15f: {  	[sflag:s18] =	ssyncadd.s32 $0xFFFFFF80  }
0x160: {  	_ =	swait.ge [sflag:s18], $0x80  }
0x161: {  	[sflag:s18] =	ssyncset.done $0x0  }
0x162: {  	[sflag:s18] =	ssyncadd.s32 $0xFFFFFF80  }
0x163: {  	_ =	swait.ge [sflag:s18], $0x1000  }
0x164: {  	[sflag:s18] =	ssyncset.done $0x0  }
0x165: {  	[sflag:s18] =	ssyncadd.s32 $0xFFFFF000  }
0x166: {  	_ =	swait.ge [sflag:s18], $0x1000  }
0x167: {  	[sflag:s18] =	ssyncset.done $0x0  }
0x168: {  	[sflag:s18] =	ssyncadd.s32 $0xFFFFF000  }
0x169: {  	s23 =	simm.s32 $0x380;
	s21 =	rddreg [dreg:$0x4]  }
0x16a: {  	[tilespmem:s23], [sflag:$0x1] =	stream.indirect.gather [spmem:s21], $0x80, s8, s2, $0xb8;
	[tilespmem:$0x14280] =	vst v63  }
0x16b: {  	s6 =	simm.s32 $0x4380;
	s24 =	rddreg [dreg:$0x6]  }
0x16c: {  	[tilespmem:s6], [sflag:$0x1] =	stream.indirect.gather [spmem:s24], $0x20, s2, s2, $0xb8;
	[tilespmem:$0x14280] =	vst v63  }
0x16d: {  	s28 =	simm.s32 $0x5380;
	s26 =	rddreg [dreg:$0x7]  }
0x16e: {  	[tilespmem:s28], [sflag:$0x1] =	stream.indirect.gather [spmem:s26], $0x20, s0, s2, $0xb8;
	[tilespmem:$0x14280] =	vst v63  }
0x16f: {  	s29 =	simm.s32 $0x6380;
	s30 =	rddreg [dreg:$0x5]  }
0x170: {  	[tilespmem:s29], [sflag:$0x1] =	stream.indirect.gather [spmem:s30], $0x40, s14, s2, $0xb8;
	[tilespmem:$0x14280] =	vst v63  }
0x171: {  	s31 =	simm.s32 $0x8380  }
0x172: {  	[tilespmem:s31], [sflag:$0x1] =	stream.indirect.gather [spmem:s30], $0x40, s1, s2, $0xb8;
	[tilespmem:$0x14280] =	vst v63  }
0x173: {  	s4 =	simm.s32 $0xA380  }
0x174: {  	[tilespmem:s4], [sflag:$0x1] =	stream.indirect.gather [spmem:s30], $0x40, s15, s2, $0xb8;
	[tilespmem:$0x14280] =	vst v63  }
0x175: {  	s17 =	simm.s32 $0xC380  }
0x176: {  	[tilespmem:s17], [sflag:$0x1] =	stream.indirect.gather [spmem:s30], $0x40, s19, s2, $0xb8;
	[tilespmem:$0x14280] =	vst v63  }
0x177: {  	_ =	swait.ge [sflag:s18], $0x4000  }
0x178: {  	[sflag:s18] =	ssyncset.done $0x0  }
0x179: {  	[sflag:s18] =	ssyncadd.s32 $0xFFFFC000  }
0x17a: {  	_ =	swait.ge [sflag:s18], $0x1000  }
0x17b: {  	[sflag:s18] =	ssyncset.done $0x0  }
0x17c: {  	[sflag:s18] =	ssyncadd.s32 $0xFFFFF000  }
0x17d: {  	_ =	swait.ge [sflag:s18], $0x1000  }
0x17e: {  	[sflag:s18] =	ssyncset.done $0x0  }
0x17f: {  	[sflag:s18] =	ssyncadd.s32 $0xFFFFF000  }
0x180: {  	_ =	swait.ge [sflag:s18], $0x2000  }
0x181: {  	[sflag:s18] =	ssyncset.done $0x0  }
0x182: {  	[sflag:s18] =	ssyncadd.s32 $0xFFFFE000  }
0x183: {  	_ =	swait.ge [sflag:s18], $0x2000  }
0x184: {  	[sflag:s18] =	ssyncset.done $0x0  }
0x185: {  	[sflag:s18] =	ssyncadd.s32 $0xFFFFE000  }
0x186: {  	_ =	swait.ge [sflag:s18], $0x2000  }
0x187: {  	[sflag:s18] =	ssyncset.done $0x0  }
0x188: {  	[sflag:s18] =	ssyncadd.s32 $0xFFFFE000  }
0x189: {  	_ =	swait.ge [sflag:s18], $0x2000  }
0x18a: {  	s19 =	rddreg [dreg:$0x9];
	[sflag:s18] =	ssyncset.done $0x0  }
0x18b: {  	[sflag:s18] =	ssyncadd.s32 $0xFFFFE000;
	s3 =	sadd.s32 s12, s19  }
0x18c: {  	[hbm4b:s3+s2] =	stream.strided.scatter [tilespmem:s23], [sflag:$0x2], $0x4000, s1, s2, $0x38;
	[tilespmem:$0x14280] =	vst v63  }
0x18d: {  	s20 =	sadd.s32 $0x10, s3  }
0x18e: {  	[hbm4b:s20+s22] =	stream.strided.scatter [tilespmem:s6], [sflag:$0x2], $0x1000, s1, s22, $0x38;
	[tilespmem:$0x14280] =	vst v63  }
0x18f: {  	s21 =	sadd.s32 $0x14, s3  }
0x190: {  	[hbm4b:s21+s22] =	stream.strided.scatter [tilespmem:s28], [sflag:$0x2], $0x1000, s1, s22, $0x38;
	[tilespmem:$0x14280] =	vst v63  }
0x191: {  	s23 =	sadd.s32 $0x18, s3  }
0x192: {  	[hbm4b:s23+s9] =	stream.strided.scatter [tilespmem:s29], [sflag:$0x2], $0x2000, s1, s9, $0x38;
	[tilespmem:$0x14280] =	vst v63  }
0x193: {  	s24 =	sadd.s32 $0x20, s3  }
0x194: {  	[hbm4b:s24+s9] =	stream.strided.scatter [tilespmem:s31], [sflag:$0x2], $0x2000, s1, s9, $0x38;
	[tilespmem:$0x14280] =	vst v63  }
0x195: {  	s26 =	sadd.s32 $0x28, s3  }
0x196: {  	[hbm4b:s26+s9] =	stream.strided.scatter [tilespmem:s4], [sflag:$0x2], $0x2000, s1, s9, $0x38;
	[tilespmem:$0x14280] =	vst v63  }
0x197: {  	s28 =	sadd.s32 $0x30, s3  }
0x198: {  	[hbm4b:s28+s9] =	stream.strided.scatter [tilespmem:s17], [sflag:$0x2], $0x2000, s1, s9, $0x38;
	[tilespmem:$0x14280] =	vst v63  }
0x199: {  	s29 =	sadd.s32 $0x38, s3  }
0x19a: {  	[hbm4b:s29+s22] =	stream.strided.scatter [tilespmem:s16], [sflag:$0x2], $0x1000, s1, s22, $0x38;
	[tilespmem:$0x14280] =	vst v63  }
0x19b: {  	s3 =	sadd.s32 $0x3C, s3  }
0x19c: {  	[hbm4b:s3+s22] =	stream.strided.scatter [tilespmem:s11], [sflag:$0x2], $0x1000, s1, s22, $0x38;
	[tilespmem:$0x14280] =	vst v63  }
0x19d: {  	_ =	swait.ge [sflag:s10], $0x4000  }
0x19e: {  	[sflag:s10] =	ssyncset.done $0x0  }
0x19f: {  	[sflag:s10] =	ssyncadd.s32 $0xFFFFC000  }
0x1a0: {  	_ =	swait.ge [sflag:s10], $0x1000  }
0x1a1: {  	[sflag:s10] =	ssyncset.done $0x0  }
0x1a2: {  	[sflag:s10] =	ssyncadd.s32 $0xFFFFF000  }
0x1a3: {  	_ =	swait.ge [sflag:s10], $0x1000  }
0x1a4: {  	[sflag:s10] =	ssyncset.done $0x0  }
0x1a5: {  	[sflag:s10] =	ssyncadd.s32 $0xFFFFF000  }
0x1a6: {  	_ =	swait.ge [sflag:s10], $0x2000  }
0x1a7: {  	[sflag:s10] =	ssyncset.done $0x0  }
0x1a8: {  	[sflag:s10] =	ssyncadd.s32 $0xFFFFE000  }
0x1a9: {  	_ =	swait.ge [sflag:s10], $0x2000  }
0x1aa: {  	[sflag:s10] =	ssyncset.done $0x0  }
0x1ab: {  	[sflag:s10] =	ssyncadd.s32 $0xFFFFE000  }
0x1ac: {  	_ =	swait.ge [sflag:s10], $0x2000  }
0x1ad: {  	[sflag:s10] =	ssyncset.done $0x0  }
0x1ae: {  	[sflag:s10] =	ssyncadd.s32 $0xFFFFE000  }
0x1af: {  	_ =	swait.ge [sflag:s10], $0x2000  }
0x1b0: {  	[sflag:s10] =	ssyncset.done $0x0  }
0x1b1: {  	[sflag:s10] =	ssyncadd.s32 $0xFFFFE000  }
0x1b2: {  	_ =	swait.ge [sflag:s10], $0x1000  }
0x1b3: {  	[sflag:s10] =	ssyncset.done $0x0  }
0x1b4: {  	[sflag:s10] =	ssyncadd.s32 $0xFFFFF000  }
0x1b5: {  	_ =	swait.ge [sflag:s10], $0x1000  }
0x1b6: {  	s30 =	rddreg [dreg:$0x1a]  }
0x1b7: {  	s31 =	rddreg [dreg:$0x17];
	s0 =	sadd.s32 $0x1, s30  }
0x1b8: {  	p0 =	sne.s32 s0, s31  }
.Ltmp1:
0x1b9: {  	_ = 	snop;
	(pc) =	sbr.rel @p0 .LBB2_1-.Ltmp1, $3  }
0x1ba: {  	_ =	sdelay $0x1  }
0x1bb: {  	[sflag:s10] =	ssyncset.done $0x0  }
0x1bc: {  	[sflag:s10] =	ssyncadd.s32 $0xFFFFF000  }
0x1bd: {  	_ =	sfence.sel $0x180000  }
0x1be: {  	[bflag:$0x0] =	sbarrier.arrive $0xFFFF  }
0x1bf: {  	_ =	strace $0x90000047  }
0x1c0: {  	s0 =	stileid.u32;
	[bflag:$0x2] =	sbarrier.arrive $0xFFFF  }
0x1c1: {  	p0 =	sne.s32 s0, $0x0;
	s0 =	rddreg [dreg:$0x8]  }
0x1c2: {  	s0 =	sadd.s32 @!p0 $0x100000, s0  }
0x1c3: {  	[sflag:s0] =	ssyncadd.tile.s32 @!p0 $0x1;
	_ =	shalt  }
.Lfunc_end2:
_tile_overlayer_lowered:
.L_overlay_start_2:
0x1c4: {  	(tag) =	ssettag $0x2  }
0x1c5: {  	s0 =	rddreg [dreg:$0x0];
	s2 =	stileid.u32  }
0x1c6: {  	s1 =	rddreg [dreg:$0x1];
	p0 =	sne.s32 s2, $0x0  }
0x1c7: {  	s3 =	rddreg [dreg:$0x2];
	[bflag:$0x3] =	sbarrier.arrive $0xFFFF;
	s2 =	simm.s32 @!p0 $0x1C03  }
0x1c8: {  	[timem:s3], [sflag:s2] =	dma.local @!p0 [hbm:s0], s1  }
0x1c9: {  	s0 =	simm.s32 @!p0 $0x3  }
0x1ca: {  	_ =	swait.ge @!p0 [sflag:s0], s1  }
0x1cb: {  	s1 =	ssub.s32 @!p0 $0x0, s1;
	[sflag:s0] =	ssyncset.done @!p0 $0x0  }
0x1cc: {  	[sflag:s0] =	ssyncadd.s32 @!p0 s1  }
0x1cd: {  	[bflag:$0x3] =	sbarrier.arrive $0xFFFF  }
0x1ce: {  	_ =	shalt  }

// kernel: sparse-core-data-format-call.cloned.1.call-start
scs
called_computation_lowered:
.L_overlay_start_0:
0x0: {  	s2 =	sld [smem:$0x3FD9]  }
0x1: {  	s3 =	sld [smem:$0x3FFE];
	_ =	sdelay $0x1  }
0x2: {  	s1 =	srdreg.scid  }
0x3: {  	s0 =	sand.u32 $0x1, s1  }
0x4: {  	s15 =	sshll.u32 s0, $0xA;
	s2 =	sadd.s32 s3, s2  }
0x5: {  	s2 =	sadd.s32 s2, s15  }
0x6: {  	[smem:$0x3FBC] =	sst s2  }
0x7: {  	_ = 	snop  }
0x8: {  	s2 =	sld [smem:$0x3FD0];
	_ =	sdelay $0x2  }
0x9: {  	s16 =	simm.s32 $0xA;
	s4 =	simm.s32 $0x10  }
0xa: {  	[smem:s4], [sflag:s16] =	dma.local [hbm:s2], $0x1  }
0xb: {  	_ =	swait.eq [sflag:s16], $0x1  }
0xc: {  	[sflag:s16] =	ssyncset.done $0x0  }
0xd: {  	[sflag:s16] =	ssyncadd.s32 $0xFFFFFFFF  }
0xe: {  	s17 =	sld [smem:$0x12];
	(tm) =	ssettm $0x1  }
0xf: {  	s18 =	sld [smem:$0x3FFB];
	_ =	sdelay $0x3  }
0x10: {  	_ =	strace s18  }
0x11: {  	s3 =	sld [smem:$0x3FFC];
	_ =	sdelay $0x3  }
0x12: {  	_ =	strace s3  }
0x13: {  	s3 =	sld [smem:$0x3FFD];
	_ =	sdelay $0x3  }
0x14: {  	_ =	strace s3  }
0x15: {  	_ =	strace $0x8FFFFFFF  }
0x16: {  	s19 =	sld [smem:$0x3FDB];
	_ =	sdelay $0x1  }
0x17: {  	s20 =	simm.s32 $_scs_section_size  }
0x18: {  	s5 =	simm.s32 $_size__tile_overlayer_lowered;
	s6 =	simm.s32 $_tile_overlayer_lowered  }
0x19: {  	s23 =	simm.s32 $0x1BFF;
	s22 =	sshll.u32 s6, $0x1;
	s3 =	sadd.s32 s20, s19  }
0x1a: {  	s7 =	simm.s32 $0x0;
	s21 =	sshll.u32 s5, $0x1;
	s5 =	sadd.s32 s22, s3  }
0x1b: {  	[timem:s7], [sflag:s23] =	dma.local [hbm:s5], s21  }
0x1c: {  	_ =	swait.ge [sflag:s23], s21  }
0x1d: {  	s4 =	ssub.s32 $0x0, s21;
	[sflag:s23] =	ssyncset.done $0x0  }
0x1e: {  	[sflag:s23] =	ssyncadd.s32 s4;
	_ =	sdelay $0x1  }
0x1f: {  	s24 =	simm.s32 $0x1B8B  }
0x20: {  	_ =	swait.ge [sflag:s24], $0x1  }
0x21: {  	[sflag:s24] =	ssyncset.done $0x0  }
0x22: {  	s26 =	simm.s32 $0x1B8E;
	s25 =	sld [smem:$0x3FFE];
	[sflag:s24] =	ssyncadd.s32 $0xFFFFFFFF  }
0x23: {  	s27 =	simm.s32 $execute0_lowered;
	[smem:$0x3FD2] =	sst s26  }
0x24: {  	s5 =	sshll.u32 s27, $0x1;
	_ =	strace $0x80000049;
	[dreg:$0x1] =	wrdreg $0xFFFFFFFF  }
0x25: {  	s28 =	simm.s32 $_size_execute0_lowered;
	s3 =	sadd.s32 s3, s5;
	[dreg:$0x0] =	wrdreg $0x0  }
0x26: {  	s5 =	sshll.u32 s28, $0x1;
	[dreg:$0x2] =	wrdreg s3  }
0x27: {  	[dreg:$0x3] =	wrdreg s5  }
0x28: {  	[dreg:$0x4] =	wrdreg $0xC0  }
0x29: {  	_ =	task [dreg:s7], $0x5FFFF  }
0x2a: {  	[dreg:$0x1] =	wrdreg $0xFFFFFFFF  }
0x2b: {  	[dreg:$0x0] =	wrdreg $0x60  }
0x2c: {  	[dreg:$0x2] =	wrdreg s25  }
0x2d: {  	[dreg:$0x3] =	wrdreg s17  }
0x2e: {  	[dreg:$0x4] =	wrdreg $0x9  }
0x2f: {  	_ =	task.clear_ibuf [dreg:s7], $0x5FFFF;
	_ =	strace $0x90000049  }
0x30: {  	s29 =	simm.s32 $0x9;
	_ =	strace $0x8000004B  }
0x31: {  	_ =	swait.ge [sflag:s29], $0x1  }
0x32: {  	[sflag:s29] =	ssyncadd.s32 $0xFFFFFFFF  }
0x33: {  	_ =	strace $0x9000004B  }
0x34: {  	_ =	sfence  }
0x35: {  	s30 =	sld [smem:$0x0];
	_ =	sdelay $0x2  }
0x36: {  	s31 =	sshll.u32 s1, $0xD;
	s1 =	sshrl.u32 s1, $0x2  }
0x37: {  	s3 =	sand.u32 $0x4000, s31;
	s1 =	sadd.s32 s1, s30  }
0x38: {  	s0 =	sor.u32 s3, s0;
	s1 =	sshll.u32 s1, $0x11  }
0x39: {  	s0 =	sor.u32 s1, s0  }
0x3a: {  	s0 =	sadd.s32 $0x8F2B, s0  }
0x3b: {  	[sflag:s0] =	ssyncadd.remote.s32 $0x1  }
0x3c: {  	_ =	sfence.sel $0xFFFF  }
0x3d: {  	[dreg:$0x0] =	wrdreg $0xFFFFFFFF;
	(pc) =	sbr.abs _section_cstart, $3  }
0x3e: {  	[dreg:$0x1] =	wrdreg $0xFFFFFFFF  }
0x3f: {  	_ =	task.clear_ibuf [dreg:s7], $0x2FFFF;
	_ =	strace $0x9FFFFFFF  }
0x40: {  	(tm) =	ssettm $0x7FFFFFFF  }
0x41: {  	_ =	shalt  }
tec
execute0_lowered:
.L_overlay_start_1:
0x0: {  	(tag) =	ssettag $0x1  }
0x1: {  	s0 =	srdreg.scid  }
0x2: {  	s1 =	sshll.u32 s0, $0x4  }
0x3: {  	s6 =	rddreg [dreg:$0x0];
	s0 =	stileid.u32;
	s1 =	sand.u32 $0x10, s1  }
0x4: {  	s4 =	simm.s32 $0x1;
	s7 =	simm.s32 $0x2;
	s1 =	sor.u32 s0, s1  }
0x5: {  	s14 =	simm.s32 $0x0;
	s8 =	simm.s32 $0x1800;
	s2 =	sshll.u32 s1, $0x6  }
0x6: {  	s15 =	simm.s32 $0x0;
	s17 =	simm.s32 $0x0;
	s1 =	ssub.s32 $0x4000, s2  }
0x7: {  	s16 =	simm.s32 $0x0;
	s9 =	simm.s32 $0x0;
	s3 =	sand.u32 $0x7C0, s1  }
0x8: {  	s10 =	simm.s32 $0x0;
	s5 =	sshrl.u32 s1, $0xB;
	p0 =	sne.s32 s3, $0x0  }
.Ltmp0:
0x9: {  	s1 =	rddreg [dreg:$0x2];
	s4 =	simm.s32 @!p0 $0x0;
	(pc) =	sbr.rel .LBB1_1-.Ltmp0, $4  }
0xa: {  	s11 =	simm.s32 $0x0;
	s3 =	rddreg [dreg:$0x1];
	s5 =	sadd.s32 s4, s5  }
0xb: {  	_ =	strace $0x8000004A;
	s4 =	simm.s32 $0x1;
	s5 =	smul.u32 $0x18, s5  }
0xc: {  	s13 =	simm.s32 $0x0;
	s6 =	sadd.s32 $0x3600, s6;
	[sflag:s4] =	ssyncpa.u1 $0x0  }
0xd: {  	s12 =	smov.u32 s2;
	[sflag:s7] =	ssyncpa.u1 $0x0;
	s7 =	sor.u32 $0x1, s5  }
.LBB1_7:
0xe: {  	s18 =	sadd.s32 $0x80, s9  }
0xf: {  	s14 =	simm.s32 $0x1;
	p1 =	sgt.s32 s18, $0x1FF  }
0x10: {  	s14 =	simm.s32 @!p1 $0x0  }
0x11: {  	s19 =	sadd.s32 s14, s10  }
0x12: {  	s20 =	smov.u32 s11;
	s14 =	sadd.s32 $0x2, s11;
	p2 =	sgt.s32 s19, $0x5  }
0x13: {  	s20 =	smov.u32 @p2 s14  }
0x14: {  	s21 =	smov.u32 s12;
	s14 =	sadd.s32 $0x800, s12;
	p3 =	sgt.s32 s20, $0x1  }
0x15: {  	s21 =	smov.u32 @p3 s14  }
0x16: {  	p0 =	slt.u32 s13, $0x2;
	s18 =	simm.s32 @p1 $0x0;
	p1 =	sgt.s32 s21, $0x3FFF  }
0x17: {  	s22 =	simm.s32 @!p0 $0x2;
	s21 =	smov.u32 @p1 s2;
	p1 =	sne.s32 s13, s7  }
.Ltmp1:
0x18: {  	s15 =	smov.u32 s10;
	_ =	swait.ge @!p0 [sflag:s22], $0x4000;
	(pc) =	sbr.rel @!p1 .LBB1_8-.Ltmp1, $4  }
0x19: {  	s17 =	smov.u32 s11;
	[sflag:s22] =	ssyncset.done @!p0 $0x0;
	s19 =	simm.s32 @p2 $0x0  }
0x1a: {  	s16 =	smov.u32 s12;
	[sflag:s22] =	ssyncadd.s32 @!p0 $0xFFFFC000;
	s10 =	smov.u32 s19  }
0x1b: {  	s20 =	simm.s32 @p3 $0x0;
	s14 =	smov.u32 s9;
	s9 =	smov.u32 s18  }
0x1c: {  	s11 =	smov.u32 s20;
	s13 =	sadd.s32 $0x1, s13;
	s12 =	smov.u32 s21  }
.LBB1_1:
0x1d: {  	p0 =	sge.u32 s13, s5  }
0x1e: {  	s31 =	sadd.s32 $0xFFFFFFFF, s13;
	s18 =	sxor.u32 @!p0 $0xFFFFFFFF, s13;
	s19 =	sshll.u32 @!p0 s9, $0x3  }
0x1f: {  	s20 =	sshll.u32 @!p0 s10, $0x7;
	s21 =	sand.u32 @!p0 $0x78, s9;
	s22 =	sshll.u32 @!p0 s12, $0xA  }
0x20: {  	s23 =	sshll.u32 @!p0 s11, $0x9;
	s18 =	sshll.u32 @!p0 s18, $0xE;
	s20 =	sand.u32 @!p0 $0x380, s20  }
0x21: {  	s19 =	sand.u32 @!p0 $0xC00, s19;
	s18 =	sand.u32 @!p0 $0x4000, s18;
	s20 =	sor.u32 @!p0 s21, s20  }
0x22: {  	s21 =	sand.u32 @!p0 $0x7, s9;
	s19 =	sor.u32 @!p0 s19, s20;
	s20 =	sadd.s32 @!p0 s6, s22  }
0x23: {  	s21 =	sshll.u32 @!p0 s21, $0x12;
	s19 =	sshrl.u32 @!p0 s19, $0x3;
	s20 =	sadd.s32 @!p0 s23, s20  }
0x24: {  	s19 =	sadd.s32 @!p0 s19, s20;
	s20 =	sor.u32 @!p0 $0x80, s21;
	s21 =	simm.s32 @!p0 $0x1000  }
0x25: {  	[tilespmem:s18], [sflag:$0x1] =	stream.strided.gather @!p0 [hbm4b:s19+s20], $0x4000, s21, s20, $0x38;
	[tilespmem:$0x10000] =	vst v63  }
0x26: {  	p0 =	sge.u32 s31, s5  }
.Ltmp2:
0x27: {  	_ = 	snop;
	(pc) =	sbr.rel @p0 .LBB1_7-.Ltmp2, $1  }
0x28: {  	_ =	sdelay $0x3  }
0x29: {  	_ =	swait.ge [sflag:s4], $0x4000;
	s18 =	sshll.u32 s13, $0xE  }
0x2a: {  	[sflag:s4] =	ssyncset.done $0x0;
	s19 =	sand.u32 $0x4000, s18  }
0x2b: {  	s20 =	simm.s32 $0x0;
	[sflag:s4] =	ssyncadd.s32 $0xFFFFC000;
	s18 =	sor.u32 $0x8000, s19  }
.LBB1_3:
0x2c: {  	s21 =	sshll.u32 s20, $0x8  }
0x2d: {  	s22 =	sadd.s32 s21, s19  }
0x2e: {  	v0 =	vmov s22;
	_ =	sdelay $0x1  }
0x2f: {  	s21 =	sadd.s32 s21, s18  }
0x30: {  	p0 =	por $0x1, $0x1;
	v1 =	vmov s21;
	s21 =	simm.s32 $0x0  }
.LBB1_4:
0x31: {  	s21 =	sshra.s32 s21, $0x2  }
0x32: {  	v2 =	vld.idx.msk [tilespmem:v0+s21+$0x0 ss:$0x1], $0xffff  }
0x33: {  	v3 =	vld.idx.msk [tilespmem:v0+s21+$0x10 ss:$0x1], $0xffff  }
0x34: {  	v4 =	vld.idx.msk [tilespmem:v0+s21+$0x20 ss:$0x1], $0xffff  }
0x35: {  	v5 =	vld.idx.msk [tilespmem:v0+s21+$0x30 ss:$0x1], $0xffff  }
0x36: {  	v6 =	vld.idx.msk [tilespmem:v0+s21+$0x40 ss:$0x1], $0xffff  }
0x37: {  	v63 =	vld.idx.msk [tilespmem:v0+s21+$0x70 ss:$0x1], $0xffff;
	[tilespmem:v1+s21+$0x0 ss:$0x1] =	vst.idx.msk $0xffff, v2  }
0x38: {  	v2 =	vld.idx.msk [tilespmem:v0+s21+$0x50 ss:$0x1], $0xffff;
	[tilespmem:v1+s21+$0x10 ss:$0x1] =	vst.idx.msk $0xffff, v3  }
0x39: {  	p1 =	por p0, p0;
	v3 =	vld.idx.msk [tilespmem:v0+s21+$0x60 ss:$0x1], $0xffff;
	[tilespmem:v1+s21+$0x20 ss:$0x1] =	vst.idx.msk $0xffff, v4  }
.Ltmp3:
0x3a: {  	[tilespmem:v1+s21+$0x30 ss:$0x1] =	vst.idx.msk $0xffff, v5;
	(pc) =	sbr.rel @p1 .LBB1_4-.Ltmp3, $4  }
0x3b: {  	[tilespmem:v1+s21+$0x40 ss:$0x1] =	vst.idx.msk $0xffff, v6  }
0x3c: {  	[tilespmem:v1+s21+$0x70 ss:$0x1] =	vst.idx.msk $0xffff, v63  }
0x3d: {  	[tilespmem:v1+s21+$0x50 ss:$0x1] =	vst.idx.msk $0xffff, v2  }
0x3e: {  	p0 =	por $0x0, $0x0;
	[tilespmem:v1+s21+$0x60 ss:$0x1] =	vst.idx.msk $0xffff, v3;
	s21 =	simm.s32 $0x200  }
0x3f: {  	s20 =	sadd.s32 $0x1, s20  }
0x40: {  	p0 =	sne.s32 s20, $0x40  }
.Ltmp4:
0x41: {  	_ = 	snop;
	(pc) =	sbr.rel @p0 .LBB1_3-.Ltmp4, $1  }
0x42: {  	_ =	sdelay $0x3  }
0x43: {  	s17 =	sshll.u32 s17, $0x7;
	s19 =	sand.u32 $0x78, s14;
	s20 =	sshll.u32 s14, $0x1  }
0x44: {  	s16 =	smul.u32 $0x300, s16;
	s15 =	sshll.u32 s15, $0x7;
	s29 =	sshrl.u32 s14, $0x2  }
0x45: {  	s30 =	sand.u32 $0x7, s14;
	s17 =	sand.u32 $0x80, s17;
	s20 =	sand.u32 $0x100, s20  }
.Ltmp5:
0x46: {  	s17 =	sor.u32 s17, s19;
	s16 =	sadd.s32 s3, s16;
	(pc) =	sbr.rel .LBB1_7-.Ltmp5, $4  }
0x47: {  	s19 =	sand.u32 $0x40, s29;
	s17 =	sor.u32 s20, s17;
	s15 =	sadd.s32 s15, s16  }
0x48: {  	s14 =	sshll.u32 s30, $0x12;
	s31 =	sshrl.u32 s17, $0x3;
	s15 =	sadd.s32 s19, s15  }
0x49: {  	s14 =	sor.u32 $0x100, s14;
	s15 =	sadd.s32 s31, s15  }
0x4a: {  	[hbm4b:s15+s14] =	stream.strided.scatter [tilespmem:s18], [sflag:$0x2], $0x4000, s8, s14, $0x38;
	[tilespmem:$0x10000] =	vst v63  }
.LBB1_8:
0x4b: {  	_ =	sfence.sel $0x180000  }
0x4c: {  	s2 =	simm.s32 $0x1;
	[bflag:$0x0] =	sbarrier.arrive $0xFFFF  }
0x4d: {  	s31 =	simm.s32 $0x2;
	[sflag:s2] =	ssyncpa.u1 $0x1  }
0x4e: {  	[sflag:s31] =	ssyncpa.u1 $0x1  }
0x4f: {  	p0 =	sne.s32 s0, $0x0;
	_ =	strace $0x9000004A  }
0x50: {  	s0 =	sadd.s32 @!p0 $0x100000, s1;
	[bflag:$0x2] =	sbarrier.arrive $0xFFFF  }
0x51: {  	[sflag:s0] =	ssyncadd.tile.s32 @!p0 $0x1;
	_ =	shalt  }
.Lfunc_end1:
_tile_overlayer_lowered:
.L_overlay_start_2:
0x52: {  	(tag) =	ssettag $0x2  }
0x53: {  	s0 =	rddreg [dreg:$0x0];
	s2 =	stileid.u32  }
0x54: {  	s1 =	rddreg [dreg:$0x1];
	p0 =	sne.s32 s2, $0x0  }
0x55: {  	s3 =	rddreg [dreg:$0x2];
	[bflag:$0x3] =	sbarrier.arrive $0xFFFF;
	s2 =	simm.s32 @!p0 $0x1C01  }
0x56: {  	[timem:s3], [sflag:s2] =	dma.local @!p0 [hbm:s0], s1  }
0x57: {  	s0 =	simm.s32 @!p0 $0x1  }
0x58: {  	_ =	swait.ge @!p0 [sflag:s0], s1  }
0x59: {  	s1 =	ssub.s32 @!p0 $0x0, s1;
	[sflag:s0] =	ssyncset.done @!p0 $0x0  }
0x5a: {  	[sflag:s0] =	ssyncadd.s32 @!p0 s1  }
0x5b: {  	[bflag:$0x3] =	sbarrier.arrive $0xFFFF  }
0x5c: {  	_ =	shalt  }

</sc_bundles>
